<compile_context>
chip_gen: v7x
topology: tpu7x:2x2x1
jax: 0.10.2.dev20260603
libtpu: 0.0.44.dev20260713+nightly
codegen_flags: <defaults>
</compile_context>

<pallas_src>
import functools

import jax
import jax.numpy as jnp
from jax import lax
from jax.experimental import pallas as pl
from jax.experimental.pallas import tpu as pltpu
from jax.experimental.pallas import tpu_sc as plsc

_N = 10000
_D = 128
_E = 320000

_NC = 2
_NS = 16
_NW = _NC * _NS
_CK = 96
_CHUNKS = -(-_E // (_NW * _CK))
_EPW = _CHUNKS * _CK
_EPAD = _NW * _CHUNKS * _CK
_NPAD = _N + 112
_RPT = _NPAD // _NS


_NBUF = 2


def _sc_body(x_hbm, src_hbm, dst_hbm, zeros_hbm, out_hbm,
             src_v, dst_v, rows_v, agg_sh, gsem, ssem):
    c = lax.axis_index("c")
    s = lax.axis_index("s")
    wid = c * _NS + s
    pltpu.sync_copy(zeros_hbm.at[pl.ds(s * _RPT, _RPT)],
                    agg_sh.at[pl.ds(s * _RPT, _RPT)])
    pltpu.sync_copy(src_hbm.at[pl.ds(wid * _EPW, _EPW)], src_v)
    pltpu.sync_copy(dst_hbm.at[wid], dst_v)
    plsc.subcore_barrier()

    def g_start(ci, b):
        pltpu.async_copy(x_hbm.at[src_v.at[pl.ds(ci * _CK, _CK)]],
                         rows_v.at[b], gsem)

    def g_wait(ci, b):
        pltpu.make_async_copy(x_hbm.at[src_v.at[pl.ds(ci * _CK, _CK)]],
                              rows_v.at[b], gsem).wait()

    def s_start(ci, b):
        pltpu.async_copy(rows_v.at[b], agg_sh.at[dst_v.at[ci]], ssem, add=True)

    def s_wait(ci, b):
        pltpu.make_async_copy(rows_v.at[b], agg_sh.at[dst_v.at[ci]],
                              ssem).wait()

    g_start(0, 0)
    g_start(1, 1)

    def chunk(ci, carry):
        b = lax.rem(ci, _NBUF)
        g_wait(ci, b)
        s_start(ci, b)
        s_wait(ci, b)

        @pl.when(ci + 2 < _CHUNKS)
        def _():
            g_start(ci + 2, b)

        return carry

    lax.fori_loop(0, _CHUNKS, chunk, 0)
    plsc.subcore_barrier()
    pltpu.sync_copy(agg_sh.at[pl.ds(s * _RPT, _RPT)],
                    out_hbm.at[c, pl.ds(s * _RPT, _RPT)])


_sc_seg = pl.kernel(
    _sc_body,
    out_type=jax.ShapeDtypeStruct((_NC, _NPAD, _D), jnp.float32),
    mesh=plsc.VectorSubcoreMesh(core_axis_name="c", subcore_axis_name="s"),
    scratch_types=[
        pltpu.VMEM((_EPW,), jnp.int32),
        pltpu.VMEM((_CHUNKS, _CK), jnp.int32),
        pltpu.VMEM((_NBUF, _CK, _D), jnp.float32),
        pltpu.VMEM_SHARED((_NPAD, _D), jnp.float32),
        pltpu.SemaphoreType.DMA,
        pltpu.SemaphoreType.DMA,
    ],
)


_BLK = 1000


def _dense_nores(x_ref, agg_ref, ws_ref, wn_ref, b_ref, o_ref, *, relu):
    acc = jnp.dot(x_ref[...], ws_ref[...], preferred_element_type=jnp.float32)
    agg = agg_ref[0] + agg_ref[1]
    acc = acc + jnp.dot(agg, wn_ref[...], preferred_element_type=jnp.float32)
    acc = acc + b_ref[...]
    if relu:
        acc = jnp.maximum(acc, 0.0)
    o_ref[...] = acc


def _dense_res(x_ref, agg_ref, ws_ref, wn_ref, b_ref, res_ref, o_ref, *, relu):
    acc = jnp.dot(x_ref[...], ws_ref[...], preferred_element_type=jnp.float32)
    agg = agg_ref[0] + agg_ref[1]
    acc = acc + jnp.dot(agg, wn_ref[...], preferred_element_type=jnp.float32)
    acc = acc + b_ref[...] + res_ref[...]
    if relu:
        acc = jnp.maximum(acc, 0.0)
    o_ref[...] = acc


def _dense_call(x, aggs, Ws, Wn, b, res=None, relu=True):
    in_specs = [
        pl.BlockSpec((_BLK, _D), lambda i: (i, 0)),
        pl.BlockSpec((_NC, _BLK, _D), lambda i: (0, i, 0)),
        pl.BlockSpec((_D, _D), lambda i: (0, 0)),
        pl.BlockSpec((_D, _D), lambda i: (0, 0)),
        pl.BlockSpec((1, _D), lambda i: (0, 0)),
    ]
    args = [x, aggs, Ws, Wn, b.reshape(1, _D)]
    if res is not None:
        in_specs.append(pl.BlockSpec((_BLK, _D), lambda i: (i, 0)))
        args.append(res)
        body = functools.partial(_dense_res, relu=relu)
    else:
        body = functools.partial(_dense_nores, relu=relu)
    return pl.pallas_call(
        body,
        grid=(_N // _BLK,),
        in_specs=in_specs,
        out_specs=pl.BlockSpec((_BLK, _D), lambda i: (i, 0)),
        out_shape=jax.ShapeDtypeStruct((_N, _D), jnp.float32),
    )(*args)


def kernel(features, edges,
           Ws0, bs0, Wn0, bn0,
           Ws1, bs1, Wn1, bn1,
           Ws2, bs2, Wn2, bn2,
           Ws3, bs3, Wn3, bn3):
    pad = _EPAD - _E
    srcp = jnp.concatenate([edges[0], jnp.zeros((pad,), jnp.int32)])
    dstp = jnp.concatenate(
        [edges[1], jnp.full((pad,), _N, jnp.int32)]).reshape(_NW, _CHUNKS, _CK)
    zeros = jnp.zeros((_NPAD, _D), jnp.float32)

    x = features
    layers = ((Ws0, bs0, Wn0, bn0), (Ws1, bs1, Wn1, bn1),
              (Ws2, bs2, Wn2, bn2), (Ws3, bs3, Wn3, bn3))
    for i, (Ws, bs, Wn, bn) in enumerate(layers):
        aggs = _sc_seg(x, srcp, dstp, zeros)
        x = _dense_call(x, aggs, Ws, Wn, bs + bn,
                        res=features if i == 2 else None,
                        relu=(i != 3))
    return x

# --- scband reference (transcript-rebuilt; emitter-appended) ---
"""Pipeline reference for scband-features2-features-83330955477054 (READ-ONLY COPY).

The authoritative reference and input builder live on the scoring server;
editing this copy changes nothing except your own understanding.
"""

import jax, jax.numpy as jnp
import numpy as np

N = 10000
E = 320000
D = 128


def _gconv(x, src, dst, Ws, bs, Wn, bn):
    # GraphConv: self-transform + transform of neighbor-sum aggregation
    agg = jax.ops.segment_sum(x[src], dst, num_segments=N)
    return x @ Ws + bs + agg @ Wn + bn


def setup_inputs(seed: int = 0):
    key = jax.random.key(seed)
    ks = jax.random.split(key, 2 + 4 * 4)
    inp = {}
    inp["features"] = jax.random.normal(ks[0], (N, D), dtype=jnp.float32)
    inp["edges"] = jax.random.randint(ks[1], (2, E), 0, N, dtype=jnp.int32)
    scale = 1.0 / np.sqrt(D)
    for i in range(4):
        inp[f"Ws{i}"] = jax.random.normal(ks[2 + 4 * i + 0], (D, D), dtype=jnp.float32) * scale
        inp[f"bs{i}"] = jnp.zeros((D,), dtype=jnp.float32)
        inp[f"Wn{i}"] = jax.random.normal(ks[2 + 4 * i + 2], (D, D), dtype=jnp.float32) * scale
        inp[f"bn{i}"] = jnp.zeros((D,), dtype=jnp.float32)
    return inp


def reference(features, edges,
              Ws0, bs0, Wn0, bn0,
              Ws1, bs1, Wn1, bn1,
              Ws2, bs2, Wn2, bn2,
              Ws3, bs3, Wn3, bn3):
    src, dst = edges[0], edges[1]
    res = features  # is_residual because in_features == out_features
    # gconv_first + IdLayer bn + relu
    x = jax.nn.relu(_gconv(features, src, dst, Ws0, bs0, Wn0, bn0))
    # hidden layer 1 (not last): relu(bn(gconv(x)))
    x = jax.nn.relu(_gconv(x, src, dst, Ws1, bs1, Wn1, bn1))
    # hidden layer 2 (last hidden, residual): relu(bn(gconv(x)) + res)
    x = jax.nn.relu(_gconv(x, src, dst, Ws2, bs2, Wn2, bn2) + res)
    # gconv_last (no relu)
    return _gconv(x, src, dst, Ws3, bs3, Wn3, bn3)

if __name__ == "__main__":
    import jax
    _d = setup_inputs()
    print(jax.jit(kernel)(*tuple(_d.values())))

</pallas_src>

<mosaic_0001>
#map = affine_map<(d0, d1) -> (0, 0)>
#map1 = affine_map<(d0, d1) -> (0)>
#map2 = affine_map<(d0, d1) -> (0, 0, 0)>
module attributes {stable_mosaic.version = 14 : i64} {
  func.func @_sc_body(%arg0: i32, %arg1: i32, %arg2: memref<10000x128xf32, #tpu.memory_space<hbm>>, %arg3: memref<322560xi32, #tpu.memory_space<hbm>>, %arg4: memref<32x105x96xi32, #tpu.memory_space<hbm>>, %arg5: memref<10112x128xf32, #tpu.memory_space<hbm>>, %arg6: memref<2x10112x128xf32, #tpu.memory_space<hbm>>, %arg7: memref<10080xi32, #tpu.memory_space<vmem>>, %arg8: memref<105x96xi32, #tpu.memory_space<vmem>>, %arg9: memref<2x96x128xf32, #tpu.memory_space<vmem>>, %arg10: memref<10112x128xf32, #tpu.memory_space<vmem_shared>>, %arg11: memref<!tpu.dma_semaphore, #tpu.memory_space<semaphore_mem>>, %arg12: memref<!tpu.dma_semaphore, #tpu.memory_space<semaphore_mem>>) attributes {dimension_semantics = [#tpu.dimension_semantics<core_parallel>, #tpu.dimension_semantics<subcore_parallel>], iteration_bounds = array<i64: 2, 16>, scalar_prefetch = 0 : i64, scratch_operands = 6 : i64, tpu.core_type = #tpu.core_type<sc_vector_subcore>, window_params = [{transform_indices = #map}, {transform_indices = #map1}, {transform_indices = #map2}, {transform_indices = #map}, {transform_indices = #map2}]} {
    %mul3A = arith.constant 16 : i32
    %mul3A_0 = arith.muli %arg0, %mul3A : i32
    %add3A = arith.addi %mul3A_0, %arg1 : i32
    %mul3A_1 = arith.constant 632 : i32
    %mul3A_2 = arith.muli %arg1, %mul3A_1 : i32
    %mul3A_3 = arith.constant 632 : i32
    %mul3A_4 = arith.muli %arg1, %mul3A_3 : i32
    "tpu.region"() ({
      %run_scoped3A = tpu.sem_alloc : memref<!tpu.dma_semaphore, #tpu.memory_space<semaphore_mem>>
      %dma_start3A_36 = arith.constant 0 : i32
      %dma_start3A_37 = tpu.memref_slice %arg10[%mul3A_4, %dma_start3A_36] : memref<10112x128xf32, #tpu.memory_space<vmem_shared>> -> memref<632x128xf32, #tpu.memory_space<vmem_shared>>
      %dma_start3A_38 = arith.constant 0 : i32
      %dma_start3A_39 = tpu.memref_slice %arg5[%mul3A_2, %dma_start3A_38] : memref<10112x128xf32, #tpu.memory_space<hbm>> -> memref<632x128xf32, #tpu.memory_space<hbm>>
      tpu.enqueue_dma source(%dma_start3A_39 : memref<632x128xf32, #tpu.memory_space<hbm>>) target(%dma_start3A_37 : memref<632x128xf32, #tpu.memory_space<vmem_shared>>) target_semaphore(%run_scoped3A : memref<!tpu.dma_semaphore, #tpu.memory_space<semaphore_mem>>)
      %dma_wait3A = arith.constant 0 : i32
      %dma_wait3A_40 = tpu.memref_slice %arg10[%mul3A_4, %dma_wait3A] : memref<10112x128xf32, #tpu.memory_space<vmem_shared>> -> memref<632x128xf32, #tpu.memory_space<vmem_shared>>
      %dma_wait3A_41 = arith.constant 0 : i32
      %dma_wait3A_42 = tpu.memref_slice %arg5[%mul3A_2, %dma_wait3A_41] : memref<10112x128xf32, #tpu.memory_space<hbm>> -> memref<632x128xf32, #tpu.memory_space<hbm>>
      tpu.wait_dma2 semaphore(%run_scoped3A : memref<!tpu.dma_semaphore, #tpu.memory_space<semaphore_mem>>) src(%dma_wait3A_42 : memref<632x128xf32, #tpu.memory_space<hbm>>) dst(%dma_wait3A_40 : memref<632x128xf32, #tpu.memory_space<vmem_shared>>)
      tpu.yield
    }) : () -> ()
    %mul3A_5 = arith.constant 10080 : i32
    %mul3A_6 = arith.muli %add3A, %mul3A_5 : i32
    "tpu.region"() ({
      %run_scoped3A = tpu.sem_alloc : memref<!tpu.dma_semaphore, #tpu.memory_space<semaphore_mem>>
      %dma_start3A_36 = tpu.memref_slice %arg3[%mul3A_6] : memref<322560xi32, #tpu.memory_space<hbm>> -> memref<10080xi32, #tpu.memory_space<hbm>>
      %dma_start3A_37 = tpu.memref_slice %arg3[%mul3A_6] : memref<322560xi32, #tpu.memory_space<hbm>> -> memref<10080xi32, #tpu.memory_space<hbm>>
      tpu.enqueue_dma source(%dma_start3A_37 : memref<10080xi32, #tpu.memory_space<hbm>>) target(%arg7 : memref<10080xi32, #tpu.memory_space<vmem>>) target_semaphore(%run_scoped3A : memref<!tpu.dma_semaphore, #tpu.memory_space<semaphore_mem>>)
      %dma_wait3A = tpu.memref_slice %arg3[%mul3A_6] : memref<322560xi32, #tpu.memory_space<hbm>> -> memref<10080xi32, #tpu.memory_space<hbm>>
      %dma_wait3A_38 = tpu.memref_slice %arg3[%mul3A_6] : memref<322560xi32, #tpu.memory_space<hbm>> -> memref<10080xi32, #tpu.memory_space<hbm>>
      tpu.wait_dma2 semaphore(%run_scoped3A : memref<!tpu.dma_semaphore, #tpu.memory_space<semaphore_mem>>) src(%dma_wait3A_38 : memref<10080xi32, #tpu.memory_space<hbm>>) dst(%arg7 : memref<10080xi32, #tpu.memory_space<vmem>>)
      tpu.yield
    }) : () -> ()
    "tpu.region"() ({
      %run_scoped3A = tpu.sem_alloc : memref<!tpu.dma_semaphore, #tpu.memory_space<semaphore_mem>>
      %dma_start3A_36 = arith.constant 0 : i32
      %dma_start3A_37 = arith.constant 0 : i32
      %dma_start3A_38 = tpu.memref_slice %arg4[%add3A, %dma_start3A_36, %dma_start3A_37] : memref<32x105x96xi32, #tpu.memory_space<hbm>> -> memref<1x105x96xi32, #tpu.memory_space<hbm>>
      %dma_start3A_39 = tpu.memref_squeeze %dma_start3A_38 : memref<1x105x96xi32, #tpu.memory_space<hbm>> -> memref<105x96xi32, #tpu.memory_space<hbm>>
      %dma_start3A_40 = arith.constant 0 : i32
      %dma_start3A_41 = arith.constant 0 : i32
      %dma_start3A_42 = tpu.memref_slice %arg4[%add3A, %dma_start3A_40, %dma_start3A_41] : memref<32x105x96xi32, #tpu.memory_space<hbm>> -> memref<1x105x96xi32, #tpu.memory_space<hbm>>
      %dma_start3A_43 = tpu.memref_squeeze %dma_start3A_42 : memref<1x105x96xi32, #tpu.memory_space<hbm>> -> memref<105x96xi32, #tpu.memory_space<hbm>>
      tpu.enqueue_dma source(%dma_start3A_43 : memref<105x96xi32, #tpu.memory_space<hbm>>) target(%arg8 : memref<105x96xi32, #tpu.memory_space<vmem>>) target_semaphore(%run_scoped3A : memref<!tpu.dma_semaphore, #tpu.memory_space<semaphore_mem>>)
      %dma_wait3A = arith.constant 0 : i32
      %dma_wait3A_44 = arith.constant 0 : i32
      %dma_wait3A_45 = tpu.memref_slice %arg4[%add3A, %dma_wait3A, %dma_wait3A_44] : memref<32x105x96xi32, #tpu.memory_space<hbm>> -> memref<1x105x96xi32, #tpu.memory_space<hbm>>
      %dma_wait3A_46 = tpu.memref_squeeze %dma_wait3A_45 : memref<1x105x96xi32, #tpu.memory_space<hbm>> -> memref<105x96xi32, #tpu.memory_space<hbm>>
      %dma_wait3A_47 = arith.constant 0 : i32
      %dma_wait3A_48 = arith.constant 0 : i32
      %dma_wait3A_49 = tpu.memref_slice %arg4[%add3A, %dma_wait3A_47, %dma_wait3A_48] : memref<32x105x96xi32, #tpu.memory_space<hbm>> -> memref<1x105x96xi32, #tpu.memory_space<hbm>>
      %dma_wait3A_50 = tpu.memref_squeeze %dma_wait3A_49 : memref<1x105x96xi32, #tpu.memory_space<hbm>> -> memref<105x96xi32, #tpu.memory_space<hbm>>
      tpu.wait_dma2 semaphore(%run_scoped3A : memref<!tpu.dma_semaphore, #tpu.memory_space<semaphore_mem>>) src(%dma_wait3A_50 : memref<105x96xi32, #tpu.memory_space<hbm>>) dst(%arg8 : memref<105x96xi32, #tpu.memory_space<vmem>>)
      tpu.yield
    }) : () -> ()
    %barrier3A = arith.constant 0 : index
    tpu.barrier barrier_id(%barrier3A)
    %dma_start3A = arith.constant 0 : i32
    %dma_start3A_7 = arith.constant 0 : i32
    %dma_start3A_8 = arith.constant 0 : i32
    %dma_start3A_9 = tpu.memref_slice %arg9[%dma_start3A, %dma_start3A_7, %dma_start3A_8] : memref<2x96x128xf32, #tpu.memory_space<vmem>> -> memref<1x96x128xf32, #tpu.memory_space<vmem>>
    %dma_start3A_10 = tpu.memref_squeeze %dma_start3A_9 : memref<1x96x128xf32, #tpu.memory_space<vmem>> -> memref<96x128xf32, #tpu.memory_space<vmem>>
    %dma_start3A_11 = arith.constant 0 : i32
    %dma_start3A_12 = tpu.memref_slice %arg7[%dma_start3A_11] : memref<10080xi32, #tpu.memory_space<vmem>> -> memref<96xi32, #tpu.memory_space<vmem>>
    %dma_start3A_13 = arith.constant 0 : i32
    %dma_start3A_14 = arith.constant 0 : i32
    %dma_start3A_15 = tpu.memref_slice %arg2[%dma_start3A_13, %dma_start3A_14] : memref<10000x128xf32, #tpu.memory_space<hbm>> -> memref<10000x128xf32, #tpu.memory_space<hbm>>
    tpu.enqueue_indirect_dma source(%dma_start3A_15 : memref<10000x128xf32, #tpu.memory_space<hbm>>) target(%dma_start3A_10 : memref<96x128xf32, #tpu.memory_space<vmem>>) offsets(%dma_start3A_12 : memref<96xi32, #tpu.memory_space<vmem>>) semaphore(%arg11 : memref<!tpu.dma_semaphore, #tpu.memory_space<semaphore_mem>>)
    %dma_start3A_16 = arith.constant 1 : i32
    %dma_start3A_17 = arith.constant 0 : i32
    %dma_start3A_18 = arith.constant 0 : i32
    %dma_start3A_19 = tpu.memref_slice %arg9[%dma_start3A_16, %dma_start3A_17, %dma_start3A_18] : memref<2x96x128xf32, #tpu.memory_space<vmem>> -> memref<1x96x128xf32, #tpu.memory_space<vmem>>
    %dma_start3A_20 = tpu.memref_squeeze %dma_start3A_19 : memref<1x96x128xf32, #tpu.memory_space<vmem>> -> memref<96x128xf32, #tpu.memory_space<vmem>>
    %dma_start3A_21 = arith.constant 96 : i32
    %dma_start3A_22 = tpu.memref_slice %arg7[%dma_start3A_21] : memref<10080xi32, #tpu.memory_space<vmem>> -> memref<96xi32, #tpu.memory_space<vmem>>
    %dma_start3A_23 = arith.constant 0 : i32
    %dma_start3A_24 = arith.constant 0 : i32
    %dma_start3A_25 = tpu.memref_slice %arg2[%dma_start3A_23, %dma_start3A_24] : memref<10000x128xf32, #tpu.memory_space<hbm>> -> memref<10000x128xf32, #tpu.memory_space<hbm>>
    tpu.enqueue_indirect_dma source(%dma_start3A_25 : memref<10000x128xf32, #tpu.memory_space<hbm>>) target(%dma_start3A_20 : memref<96x128xf32, #tpu.memory_space<vmem>>) offsets(%dma_start3A_22 : memref<96xi32, #tpu.memory_space<vmem>>) semaphore(%arg11 : memref<!tpu.dma_semaphore, #tpu.memory_space<semaphore_mem>>)
    %scan3A = arith.constant 0 : i32
    %scan3A_26 = arith.constant 0 : i32
    %scan3A_27 = arith.constant 105 : i32
    %scan3A_28 = arith.addi %scan3A_26, %scan3A_27 : i32
    %scan3A_29 = arith.constant 1 : i32
    scf.for %scan3A_36 = %scan3A_26 to %scan3A_28 step %scan3A_29  : i32 {
      %rem3A = arith.constant 2 : i32
      %rem3A_37 = arith.remsi %scan3A_36, %rem3A : i32
      %mul3A_38 = arith.constant 96 : i32
      %mul3A_39 = arith.muli %scan3A_36, %mul3A_38 : i32
      %dma_wait3A = arith.constant 0 : i32
      %dma_wait3A_40 = arith.constant 0 : i32
      %dma_wait3A_41 = tpu.memref_slice %arg9[%rem3A_37, %dma_wait3A, %dma_wait3A_40] : memref<2x96x128xf32, #tpu.memory_space<vmem>> -> memref<1x96x128xf32, #tpu.memory_space<vmem>>
      %dma_wait3A_42 = tpu.memref_squeeze %dma_wait3A_41 : memref<1x96x128xf32, #tpu.memory_space<vmem>> -> memref<96x128xf32, #tpu.memory_space<vmem>>
      %dma_wait3A_43 = tpu.memref_slice %arg7[%mul3A_39] : memref<10080xi32, #tpu.memory_space<vmem>> -> memref<96xi32, #tpu.memory_space<vmem>>
      %dma_wait3A_44 = arith.constant 0 : i32
      %dma_wait3A_45 = arith.constant 0 : i32
      %dma_wait3A_46 = tpu.memref_slice %arg2[%dma_wait3A_44, %dma_wait3A_45] : memref<10000x128xf32, #tpu.memory_space<hbm>> -> memref<10000x128xf32, #tpu.memory_space<hbm>>
      tpu.wait_indirect_dma semaphore(%arg11 : memref<!tpu.dma_semaphore, #tpu.memory_space<semaphore_mem>>) src(%dma_wait3A_46 : memref<10000x128xf32, #tpu.memory_space<hbm>>) dst(%dma_wait3A_42 : memref<96x128xf32, #tpu.memory_space<vmem>>)
      %dma_start3A_47 = arith.constant 0 : i32
      %dma_start3A_48 = arith.constant 0 : i32
      %dma_start3A_49 = tpu.memref_slice %arg9[%rem3A_37, %dma_start3A_47, %dma_start3A_48] : memref<2x96x128xf32, #tpu.memory_space<vmem>> -> memref<1x96x128xf32, #tpu.memory_space<vmem>>
      %dma_start3A_50 = tpu.memref_squeeze %dma_start3A_49 : memref<1x96x128xf32, #tpu.memory_space<vmem>> -> memref<96x128xf32, #tpu.memory_space<vmem>>
      %dma_start3A_51 = arith.constant 0 : i32
      %dma_start3A_52 = tpu.memref_slice %arg8[%scan3A_36, %dma_start3A_51] : memref<105x96xi32, #tpu.memory_space<vmem>> -> memref<1x96xi32, #tpu.memory_space<vmem>>
      %dma_start3A_53 = tpu.memref_squeeze %dma_start3A_52 : memref<1x96xi32, #tpu.memory_space<vmem>> -> memref<96xi32, #tpu.memory_space<vmem>>
      %dma_start3A_54 = arith.constant 0 : i32
      %dma_start3A_55 = arith.constant 0 : i32
      %dma_start3A_56 = tpu.memref_slice %arg10[%dma_start3A_54, %dma_start3A_55] : memref<10112x128xf32, #tpu.memory_space<vmem_shared>> -> memref<10112x128xf32, #tpu.memory_space<vmem_shared>>
      tpu.enqueue_indirect_dma source(%dma_start3A_50 : memref<96x128xf32, #tpu.memory_space<vmem>>) target(%dma_start3A_56 : memref<10112x128xf32, #tpu.memory_space<vmem_shared>>) offsets(%dma_start3A_53 : memref<96xi32, #tpu.memory_space<vmem>>) semaphore(%arg12 : memref<!tpu.dma_semaphore, #tpu.memory_space<semaphore_mem>>) {add = true}
      %dma_wait3A_57 = arith.constant 0 : i32
      %dma_wait3A_58 = arith.constant 0 : i32
      %dma_wait3A_59 = tpu.memref_slice %arg9[%rem3A_37, %dma_wait3A_57, %dma_wait3A_58] : memref<2x96x128xf32, #tpu.memory_space<vmem>> -> memref<1x96x128xf32, #tpu.memory_space<vmem>>
      %dma_wait3A_60 = tpu.memref_squeeze %dma_wait3A_59 : memref<1x96x128xf32, #tpu.memory_space<vmem>> -> memref<96x128xf32, #tpu.memory_space<vmem>>
      %dma_wait3A_61 = arith.constant 0 : i32
      %dma_wait3A_62 = tpu.memref_slice %arg8[%scan3A_36, %dma_wait3A_61] : memref<105x96xi32, #tpu.memory_space<vmem>> -> memref<1x96xi32, #tpu.memory_space<vmem>>
      %dma_wait3A_63 = tpu.memref_squeeze %dma_wait3A_62 : memref<1x96xi32, #tpu.memory_space<vmem>> -> memref<96xi32, #tpu.memory_space<vmem>>
      %dma_wait3A_64 = arith.constant 0 : i32
      %dma_wait3A_65 = arith.constant 0 : i32
      %dma_wait3A_66 = tpu.memref_slice %arg10[%dma_wait3A_64, %dma_wait3A_65] : memref<10112x128xf32, #tpu.memory_space<vmem_shared>> -> memref<10112x128xf32, #tpu.memory_space<vmem_shared>>
      tpu.wait_indirect_dma semaphore(%arg12 : memref<!tpu.dma_semaphore, #tpu.memory_space<semaphore_mem>>) src(%dma_wait3A_60 : memref<96x128xf32, #tpu.memory_space<vmem>>) dst(%dma_wait3A_66 : memref<10112x128xf32, #tpu.memory_space<vmem_shared>>)
      %add3A_67 = arith.constant 2 : i32
      %add3A_68 = arith.addi %scan3A_36, %add3A_67 : i32
      %lt3A = arith.constant 105 : i32
      %lt3A_69 = arith.cmpi slt, %add3A_68, %lt3A : i32
      %convert_element_type3A = arith.extui %lt3A_69 : i1 to i32
      %cond3A = arith.constant 0 : i32
      %cond3A_70 = arith.cmpi ne, %convert_element_type3A, %cond3A : i32
      scf.if %cond3A_70 {
        %add3A_71 = arith.constant 2 : i32
        %add3A_72 = arith.addi %scan3A_36, %add3A_71 : i32
        %mul3A_73 = arith.constant 96 : i32
        %mul3A_74 = arith.muli %add3A_72, %mul3A_73 : i32
        %dma_start3A_75 = arith.constant 0 : i32
        %dma_start3A_76 = arith.constant 0 : i32
        %dma_start3A_77 = tpu.memref_slice %arg9[%rem3A_37, %dma_start3A_75, %dma_start3A_76] : memref<2x96x128xf32, #tpu.memory_space<vmem>> -> memref<1x96x128xf32, #tpu.memory_space<vmem>>
        %dma_start3A_78 = tpu.memref_squeeze %dma_start3A_77 : memref<1x96x128xf32, #tpu.memory_space<vmem>> -> memref<96x128xf32, #tpu.memory_space<vmem>>
        %dma_start3A_79 = tpu.memref_slice %arg7[%mul3A_74] : memref<10080xi32, #tpu.memory_space<vmem>> -> memref<96xi32, #tpu.memory_space<vmem>>
        %dma_start3A_80 = arith.constant 0 : i32
        %dma_start3A_81 = arith.constant 0 : i32
        %dma_start3A_82 = tpu.memref_slice %arg2[%dma_start3A_80, %dma_start3A_81] : memref<10000x128xf32, #tpu.memory_space<hbm>> -> memref<10000x128xf32, #tpu.memory_space<hbm>>
        tpu.enqueue_indirect_dma source(%dma_start3A_82 : memref<10000x128xf32, #tpu.memory_space<hbm>>) target(%dma_start3A_78 : memref<96x128xf32, #tpu.memory_space<vmem>>) offsets(%dma_start3A_79 : memref<96xi32, #tpu.memory_space<vmem>>) semaphore(%arg11 : memref<!tpu.dma_semaphore, #tpu.memory_space<semaphore_mem>>)
      } else {
      }
    }
    %scan3A_30 = arith.constant 105 : i32
    %barrier3A_31 = arith.constant 0 : index
    tpu.barrier barrier_id(%barrier3A_31)
    %mul3A_32 = arith.constant 632 : i32
    %mul3A_33 = arith.muli %arg1, %mul3A_32 : i32
    %mul3A_34 = arith.constant 632 : i32
    %mul3A_35 = arith.muli %arg1, %mul3A_34 : i32
    "tpu.region"() ({
      %run_scoped3A = tpu.sem_alloc : memref<!tpu.dma_semaphore, #tpu.memory_space<semaphore_mem>>
      %dma_start3A_36 = arith.constant 0 : i32
      %dma_start3A_37 = tpu.memref_slice %arg6[%arg0, %mul3A_35, %dma_start3A_36] : memref<2x10112x128xf32, #tpu.memory_space<hbm>> -> memref<1x632x128xf32, #tpu.memory_space<hbm>>
      %dma_start3A_38 = tpu.memref_squeeze %dma_start3A_37 : memref<1x632x128xf32, #tpu.memory_space<hbm>> -> memref<632x128xf32, #tpu.memory_space<hbm>>
      %dma_start3A_39 = arith.constant 0 : i32
      %dma_start3A_40 = tpu.memref_slice %arg10[%mul3A_33, %dma_start3A_39] : memref<10112x128xf32, #tpu.memory_space<vmem_shared>> -> memref<632x128xf32, #tpu.memory_space<vmem_shared>>
      tpu.enqueue_dma source(%dma_start3A_40 : memref<632x128xf32, #tpu.memory_space<vmem_shared>>) target(%dma_start3A_38 : memref<632x128xf32, #tpu.memory_space<hbm>>) target_semaphore(%run_scoped3A : memref<!tpu.dma_semaphore, #tpu.memory_space<semaphore_mem>>)
      %dma_wait3A = arith.constant 0 : i32
      %dma_wait3A_41 = tpu.memref_slice %arg6[%arg0, %mul3A_35, %dma_wait3A] : memref<2x10112x128xf32, #tpu.memory_space<hbm>> -> memref<1x632x128xf32, #tpu.memory_space<hbm>>
      %dma_wait3A_42 = tpu.memref_squeeze %dma_wait3A_41 : memref<1x632x128xf32, #tpu.memory_space<hbm>> -> memref<632x128xf32, #tpu.memory_space<hbm>>
      %dma_wait3A_43 = arith.constant 0 : i32
      %dma_wait3A_44 = tpu.memref_slice %arg10[%mul3A_33, %dma_wait3A_43] : memref<10112x128xf32, #tpu.memory_space<vmem_shared>> -> memref<632x128xf32, #tpu.memory_space<vmem_shared>>
      tpu.wait_dma2 semaphore(%run_scoped3A : memref<!tpu.dma_semaphore, #tpu.memory_space<semaphore_mem>>) src(%dma_wait3A_44 : memref<632x128xf32, #tpu.memory_space<vmem_shared>>) dst(%dma_wait3A_42 : memref<632x128xf32, #tpu.memory_space<hbm>>)
      tpu.yield
    }) : () -> ()
    return
  }
}

#map = affine_map<(d0, d1) -> (0, 0)>
#map1 = affine_map<(d0, d1) -> (0)>
#map2 = affine_map<(d0, d1) -> (0, 0, 0)>
module attributes {stable_mosaic.version = 14 : i64} {
  func.func @_sc_body(%arg0: i32, %arg1: i32, %arg2: memref<10000x128xf32, #tpu.memory_space<hbm>>, %arg3: memref<322560xi32, #tpu.memory_space<hbm>>, %arg4: memref<32x105x96xi32, #tpu.memory_space<hbm>>, %arg5: memref<10112x128xf32, #tpu.memory_space<hbm>>, %arg6: memref<2x10112x128xf32, #tpu.memory_space<hbm>>, %arg7: memref<10080xi32, #tpu.memory_space<vmem>>, %arg8: memref<105x96xi32, #tpu.memory_space<vmem>>, %arg9: memref<2x96x128xf32, #tpu.memory_space<vmem>>, %arg10: memref<10112x128xf32, #tpu.memory_space<vmem_shared>>, %arg11: memref<!tpu.dma_semaphore, #tpu.memory_space<semaphore_mem>>, %arg12: memref<!tpu.dma_semaphore, #tpu.memory_space<semaphore_mem>>) attributes {dimension_semantics = [#tpu.dimension_semantics<core_parallel>, #tpu.dimension_semantics<subcore_parallel>], iteration_bounds = array<i64: 2, 16>, scalar_prefetch = 0 : i64, scratch_operands = 6 : i64, tpu.core_type = #tpu.core_type<sc_vector_subcore>, window_params = [{transform_indices = #map}, {transform_indices = #map1}, {transform_indices = #map2}, {transform_indices = #map}, {transform_indices = #map2}]} {
    %mul3A = arith.constant 16 : i32
    %mul3A_0 = arith.muli %arg0, %mul3A : i32
    %add3A = arith.addi %mul3A_0, %arg1 : i32
    %mul3A_1 = arith.constant 632 : i32
    %mul3A_2 = arith.muli %arg1, %mul3A_1 : i32
    %mul3A_3 = arith.constant 632 : i32
    %mul3A_4 = arith.muli %arg1, %mul3A_3 : i32
    "tpu.region"() ({
      %run_scoped3A = tpu.sem_alloc : memref<!tpu.dma_semaphore, #tpu.memory_space<semaphore_mem>>
      %dma_start3A_36 = arith.constant 0 : i32
      %dma_start3A_37 = tpu.memref_slice %arg10[%mul3A_4, %dma_start3A_36] : memref<10112x128xf32, #tpu.memory_space<vmem_shared>> -> memref<632x128xf32, #tpu.memory_space<vmem_shared>>
      %dma_start3A_38 = arith.constant 0 : i32
      %dma_start3A_39 = tpu.memref_slice %arg5[%mul3A_2, %dma_start3A_38] : memref<10112x128xf32, #tpu.memory_space<hbm>> -> memref<632x128xf32, #tpu.memory_space<hbm>>
      tpu.enqueue_dma source(%dma_start3A_39 : memref<632x128xf32, #tpu.memory_space<hbm>>) target(%dma_start3A_37 : memref<632x128xf32, #tpu.memory_space<vmem_shared>>) target_semaphore(%run_scoped3A : memref<!tpu.dma_semaphore, #tpu.memory_space<semaphore_mem>>)
      %dma_wait3A = arith.constant 0 : i32
      %dma_wait3A_40 = tpu.memref_slice %arg10[%mul3A_4, %dma_wait3A] : memref<10112x128xf32, #tpu.memory_space<vmem_shared>> -> memref<632x128xf32, #tpu.memory_space<vmem_shared>>
      %dma_wait3A_41 = arith.constant 0 : i32
      %dma_wait3A_42 = tpu.memref_slice %arg5[%mul3A_2, %dma_wait3A_41] : memref<10112x128xf32, #tpu.memory_space<hbm>> -> memref<632x128xf32, #tpu.memory_space<hbm>>
      tpu.wait_dma2 semaphore(%run_scoped3A : memref<!tpu.dma_semaphore, #tpu.memory_space<semaphore_mem>>) src(%dma_wait3A_42 : memref<632x128xf32, #tpu.memory_space<hbm>>) dst(%dma_wait3A_40 : memref<632x128xf32, #tpu.memory_space<vmem_shared>>)
      tpu.yield
    }) : () -> ()
    %mul3A_5 = arith.constant 10080 : i32
    %mul3A_6 = arith.muli %add3A, %mul3A_5 : i32
    "tpu.region"() ({
      %run_scoped3A = tpu.sem_alloc : memref<!tpu.dma_semaphore, #tpu.memory_space<semaphore_mem>>
      %dma_start3A_36 = tpu.memref_slice %arg3[%mul3A_6] : memref<322560xi32, #tpu.memory_space<hbm>> -> memref<10080xi32, #tpu.memory_space<hbm>>
      %dma_start3A_37 = tpu.memref_slice %arg3[%mul3A_6] : memref<322560xi32, #tpu.memory_space<hbm>> -> memref<10080xi32, #tpu.memory_space<hbm>>
      tpu.enqueue_dma source(%dma_start3A_37 : memref<10080xi32, #tpu.memory_space<hbm>>) target(%arg7 : memref<10080xi32, #tpu.memory_space<vmem>>) target_semaphore(%run_scoped3A : memref<!tpu.dma_semaphore, #tpu.memory_space<semaphore_mem>>)
      %dma_wait3A = tpu.memref_slice %arg3[%mul3A_6] : memref<322560xi32, #tpu.memory_space<hbm>> -> memref<10080xi32, #tpu.memory_space<hbm>>
      %dma_wait3A_38 = tpu.memref_slice %arg3[%mul3A_6] : memref<322560xi32, #tpu.memory_space<hbm>> -> memref<10080xi32, #tpu.memory_space<hbm>>
      tpu.wait_dma2 semaphore(%run_scoped3A : memref<!tpu.dma_semaphore, #tpu.memory_space<semaphore_mem>>) src(%dma_wait3A_38 : memref<10080xi32, #tpu.memory_space<hbm>>) dst(%arg7 : memref<10080xi32, #tpu.memory_space<vmem>>)
      tpu.yield
    }) : () -> ()
    "tpu.region"() ({
      %run_scoped3A = tpu.sem_alloc : memref<!tpu.dma_semaphore, #tpu.memory_space<semaphore_mem>>
      %dma_start3A_36 = arith.constant 0 : i32
      %dma_start3A_37 = arith.constant 0 : i32
      %dma_start3A_38 = tpu.memref_slice %arg4[%add3A, %dma_start3A_36, %dma_start3A_37] : memref<32x105x96xi32, #tpu.memory_space<hbm>> -> memref<1x105x96xi32, #tpu.memory_space<hbm>>
      %dma_start3A_39 = tpu.memref_squeeze %dma_start3A_38 : memref<1x105x96xi32, #tpu.memory_space<hbm>> -> memref<105x96xi32, #tpu.memory_space<hbm>>
      %dma_start3A_40 = arith.constant 0 : i32
      %dma_start3A_41 = arith.constant 0 : i32
      %dma_start3A_42 = tpu.memref_slice %arg4[%add3A, %dma_start3A_40, %dma_start3A_41] : memref<32x105x96xi32, #tpu.memory_space<hbm>> -> memref<1x105x96xi32, #tpu.memory_space<hbm>>
      %dma_start3A_43 = tpu.memref_squeeze %dma_start3A_42 : memref<1x105x96xi32, #tpu.memory_space<hbm>> -> memref<105x96xi32, #tpu.memory_space<hbm>>
      tpu.enqueue_dma source(%dma_start3A_43 : memref<105x96xi32, #tpu.memory_space<hbm>>) target(%arg8 : memref<105x96xi32, #tpu.memory_space<vmem>>) target_semaphore(%run_scoped3A : memref<!tpu.dma_semaphore, #tpu.memory_space<semaphore_mem>>)
      %dma_wait3A = arith.constant 0 : i32
      %dma_wait3A_44 = arith.constant 0 : i32
      %dma_wait3A_45 = tpu.memref_slice %arg4[%add3A, %dma_wait3A, %dma_wait3A_44] : memref<32x105x96xi32, #tpu.memory_space<hbm>> -> memref<1x105x96xi32, #tpu.memory_space<hbm>>
      %dma_wait3A_46 = tpu.memref_squeeze %dma_wait3A_45 : memref<1x105x96xi32, #tpu.memory_space<hbm>> -> memref<105x96xi32, #tpu.memory_space<hbm>>
      %dma_wait3A_47 = arith.constant 0 : i32
      %dma_wait3A_48 = arith.constant 0 : i32
      %dma_wait3A_49 = tpu.memref_slice %arg4[%add3A, %dma_wait3A_47, %dma_wait3A_48] : memref<32x105x96xi32, #tpu.memory_space<hbm>> -> memref<1x105x96xi32, #tpu.memory_space<hbm>>
      %dma_wait3A_50 = tpu.memref_squeeze %dma_wait3A_49 : memref<1x105x96xi32, #tpu.memory_space<hbm>> -> memref<105x96xi32, #tpu.memory_space<hbm>>
      tpu.wait_dma2 semaphore(%run_scoped3A : memref<!tpu.dma_semaphore, #tpu.memory_space<semaphore_mem>>) src(%dma_wait3A_50 : memref<105x96xi32, #tpu.memory_space<hbm>>) dst(%arg8 : memref<105x96xi32, #tpu.memory_space<vmem>>)
      tpu.yield
    }) : () -> ()
    %barrier3A = arith.constant 0 : index
    tpu.barrier barrier_id(%barrier3A)
    %dma_start3A = arith.constant 0 : i32
    %dma_start3A_7 = arith.constant 0 : i32
    %dma_start3A_8 = arith.constant 0 : i32
    %dma_start3A_9 = tpu.memref_slice %arg9[%dma_start3A, %dma_start3A_7, %dma_start3A_8] : memref<2x96x128xf32, #tpu.memory_space<vmem>> -> memref<1x96x128xf32, #tpu.memory_space<vmem>>
    %dma_start3A_10 = tpu.memref_squeeze %dma_start3A_9 : memref<1x96x128xf32, #tpu.memory_space<vmem>> -> memref<96x128xf32, #tpu.memory_space<vmem>>
    %dma_start3A_11 = arith.constant 0 : i32
    %dma_start3A_12 = tpu.memref_slice %arg7[%dma_start3A_11] : memref<10080xi32, #tpu.memory_space<vmem>> -> memref<96xi32, #tpu.memory_space<vmem>>
    %dma_start3A_13 = arith.constant 0 : i32
    %dma_start3A_14 = arith.constant 0 : i32
    %dma_start3A_15 = tpu.memref_slice %arg2[%dma_start3A_13, %dma_start3A_14] : memref<10000x128xf32, #tpu.memory_space<hbm>> -> memref<10000x128xf32, #tpu.memory_space<hbm>>
    tpu.enqueue_indirect_dma source(%dma_start3A_15 : memref<10000x128xf32, #tpu.memory_space<hbm>>) target(%dma_start3A_10 : memref<96x128xf32, #tpu.memory_space<vmem>>) offsets(%dma_start3A_12 : memref<96xi32, #tpu.memory_space<vmem>>) semaphore(%arg11 : memref<!tpu.dma_semaphore, #tpu.memory_space<semaphore_mem>>)
    %dma_start3A_16 = arith.constant 1 : i32
    %dma_start3A_17 = arith.constant 0 : i32
    %dma_start3A_18 = arith.constant 0 : i32
    %dma_start3A_19 = tpu.memref_slice %arg9[%dma_start3A_16, %dma_start3A_17, %dma_start3A_18] : memref<2x96x128xf32, #tpu.memory_space<vmem>> -> memref<1x96x128xf32, #tpu.memory_space<vmem>>
    %dma_start3A_20 = tpu.memref_squeeze %dma_start3A_19 : memref<1x96x128xf32, #tpu.memory_space<vmem>> -> memref<96x128xf32, #tpu.memory_space<vmem>>
    %dma_start3A_21 = arith.constant 96 : i32
    %dma_start3A_22 = tpu.memref_slice %arg7[%dma_start3A_21] : memref<10080xi32, #tpu.memory_space<vmem>> -> memref<96xi32, #tpu.memory_space<vmem>>
    %dma_start3A_23 = arith.constant 0 : i32
    %dma_start3A_24 = arith.constant 0 : i32
    %dma_start3A_25 = tpu.memref_slice %arg2[%dma_start3A_23, %dma_start3A_24] : memref<10000x128xf32, #tpu.memory_space<hbm>> -> memref<10000x128xf32, #tpu.memory_space<hbm>>
    tpu.enqueue_indirect_dma source(%dma_start3A_25 : memref<10000x128xf32, #tpu.memory_space<hbm>>) target(%dma_start3A_20 : memref<96x128xf32, #tpu.memory_space<vmem>>) offsets(%dma_start3A_22 : memref<96xi32, #tpu.memory_space<vmem>>) semaphore(%arg11 : memref<!tpu.dma_semaphore, #tpu.memory_space<semaphore_mem>>)
    %scan3A = arith.constant 0 : i32
    %scan3A_26 = arith.constant 0 : i32
    %scan3A_27 = arith.constant 105 : i32
    %scan3A_28 = arith.addi %scan3A_26, %scan3A_27 : i32
    %scan3A_29 = arith.constant 1 : i32
    scf.for %scan3A_36 = %scan3A_26 to %scan3A_28 step %scan3A_29  : i32 {
      %rem3A = arith.constant 2 : i32
      %rem3A_37 = arith.remsi %scan3A_36, %rem3A : i32
      %mul3A_38 = arith.constant 96 : i32
      %mul3A_39 = arith.muli %scan3A_36, %mul3A_38 : i32
      %dma_wait3A = arith.constant 0 : i32
      %dma_wait3A_40 = arith.constant 0 : i32
      %dma_wait3A_41 = tpu.memref_slice %arg9[%rem3A_37, %dma_wait3A, %dma_wait3A_40] : memref<2x96x128xf32, #tpu.memory_space<vmem>> -> memref<1x96x128xf32, #tpu.memory_space<vmem>>
      %dma_wait3A_42 = tpu.memref_squeeze %dma_wait3A_41 : memref<1x96x128xf32, #tpu.memory_space<vmem>> -> memref<96x128xf32, #tpu.memory_space<vmem>>
      %dma_wait3A_43 = tpu.memref_slice %arg7[%mul3A_39] : memref<10080xi32, #tpu.memory_space<vmem>> -> memref<96xi32, #tpu.memory_space<vmem>>
      %dma_wait3A_44 = arith.constant 0 : i32
      %dma_wait3A_45 = arith.constant 0 : i32
      %dma_wait3A_46 = tpu.memref_slice %arg2[%dma_wait3A_44, %dma_wait3A_45] : memref<10000x128xf32, #tpu.memory_space<hbm>> -> memref<10000x128xf32, #tpu.memory_space<hbm>>
      tpu.wait_indirect_dma semaphore(%arg11 : memref<!tpu.dma_semaphore, #tpu.memory_space<semaphore_mem>>) src(%dma_wait3A_46 : memref<10000x128xf32, #tpu.memory_space<hbm>>) dst(%dma_wait3A_42 : memref<96x128xf32, #tpu.memory_space<vmem>>)
      %dma_start3A_47 = arith.constant 0 : i32
      %dma_start3A_48 = arith.constant 0 : i32
      %dma_start3A_49 = tpu.memref_slice %arg9[%rem3A_37, %dma_start3A_47, %dma_start3A_48] : memref<2x96x128xf32, #tpu.memory_space<vmem>> -> memref<1x96x128xf32, #tpu.memory_space<vmem>>
      %dma_start3A_50 = tpu.memref_squeeze %dma_start3A_49 : memref<1x96x128xf32, #tpu.memory_space<vmem>> -> memref<96x128xf32, #tpu.memory_space<vmem>>
      %dma_start3A_51 = arith.constant 0 : i32
      %dma_start3A_52 = tpu.memref_slice %arg8[%scan3A_36, %dma_start3A_51] : memref<105x96xi32, #tpu.memory_space<vmem>> -> memref<1x96xi32, #tpu.memory_space<vmem>>
      %dma_start3A_53 = tpu.memref_squeeze %dma_start3A_52 : memref<1x96xi32, #tpu.memory_space<vmem>> -> memref<96xi32, #tpu.memory_space<vmem>>
      %dma_start3A_54 = arith.constant 0 : i32
      %dma_start3A_55 = arith.constant 0 : i32
      %dma_start3A_56 = tpu.memref_slice %arg10[%dma_start3A_54, %dma_start3A_55] : memref<10112x128xf32, #tpu.memory_space<vmem_shared>> -> memref<10112x128xf32, #tpu.memory_space<vmem_shared>>
      tpu.enqueue_indirect_dma source(%dma_start3A_50 : memref<96x128xf32, #tpu.memory_space<vmem>>) target(%dma_start3A_56 : memref<10112x128xf32, #tpu.memory_space<vmem_shared>>) offsets(%dma_start3A_53 : memref<96xi32, #tpu.memory_space<vmem>>) semaphore(%arg12 : memref<!tpu.dma_semaphore, #tpu.memory_space<semaphore_mem>>) {add = true}
      %dma_wait3A_57 = arith.constant 0 : i32
      %dma_wait3A_58 = arith.constant 0 : i32
      %dma_wait3A_59 = tpu.memref_slice %arg9[%rem3A_37, %dma_wait3A_57, %dma_wait3A_58] : memref<2x96x128xf32, #tpu.memory_space<vmem>> -> memref<1x96x128xf32, #tpu.memory_space<vmem>>
      %dma_wait3A_60 = tpu.memref_squeeze %dma_wait3A_59 : memref<1x96x128xf32, #tpu.memory_space<vmem>> -> memref<96x128xf32, #tpu.memory_space<vmem>>
      %dma_wait3A_61 = arith.constant 0 : i32
      %dma_wait3A_62 = tpu.memref_slice %arg8[%scan3A_36, %dma_wait3A_61] : memref<105x96xi32, #tpu.memory_space<vmem>> -> memref<1x96xi32, #tpu.memory_space<vmem>>
      %dma_wait3A_63 = tpu.memref_squeeze %dma_wait3A_62 : memref<1x96xi32, #tpu.memory_space<vmem>> -> memref<96xi32, #tpu.memory_space<vmem>>
      %dma_wait3A_64 = arith.constant 0 : i32
      %dma_wait3A_65 = arith.constant 0 : i32
      %dma_wait3A_66 = tpu.memref_slice %arg10[%dma_wait3A_64, %dma_wait3A_65] : memref<10112x128xf32, #tpu.memory_space<vmem_shared>> -> memref<10112x128xf32, #tpu.memory_space<vmem_shared>>
      tpu.wait_indirect_dma semaphore(%arg12 : memref<!tpu.dma_semaphore, #tpu.memory_space<semaphore_mem>>) src(%dma_wait3A_60 : memref<96x128xf32, #tpu.memory_space<vmem>>) dst(%dma_wait3A_66 : memref<10112x128xf32, #tpu.memory_space<vmem_shared>>)
      %add3A_67 = arith.constant 2 : i32
      %add3A_68 = arith.addi %scan3A_36, %add3A_67 : i32
      %lt3A = arith.constant 105 : i32
      %lt3A_69 = arith.cmpi slt, %add3A_68, %lt3A : i32
      %convert_element_type3A = arith.extui %lt3A_69 : i1 to i32
      %cond3A = arith.constant 0 : i32
      %cond3A_70 = arith.cmpi ne, %convert_element_type3A, %cond3A : i32
      scf.if %cond3A_70 {
        %add3A_71 = arith.constant 2 : i32
        %add3A_72 = arith.addi %scan3A_36, %add3A_71 : i32
        %mul3A_73 = arith.constant 96 : i32
        %mul3A_74 = arith.muli %add3A_72, %mul3A_73 : i32
        %dma_start3A_75 = arith.constant 0 : i32
        %dma_start3A_76 = arith.constant 0 : i32
        %dma_start3A_77 = tpu.memref_slice %arg9[%rem3A_37, %dma_start3A_75, %dma_start3A_76] : memref<2x96x128xf32, #tpu.memory_space<vmem>> -> memref<1x96x128xf32, #tpu.memory_space<vmem>>
        %dma_start3A_78 = tpu.memref_squeeze %dma_start3A_77 : memref<1x96x128xf32, #tpu.memory_space<vmem>> -> memref<96x128xf32, #tpu.memory_space<vmem>>
        %dma_start3A_79 = tpu.memref_slice %arg7[%mul3A_74] : memref<10080xi32, #tpu.memory_space<vmem>> -> memref<96xi32, #tpu.memory_space<vmem>>
        %dma_start3A_80 = arith.constant 0 : i32
        %dma_start3A_81 = arith.constant 0 : i32
        %dma_start3A_82 = tpu.memref_slice %arg2[%dma_start3A_80, %dma_start3A_81] : memref<10000x128xf32, #tpu.memory_space<hbm>> -> memref<10000x128xf32, #tpu.memory_space<hbm>>
        tpu.enqueue_indirect_dma source(%dma_start3A_82 : memref<10000x128xf32, #tpu.memory_space<hbm>>) target(%dma_start3A_78 : memref<96x128xf32, #tpu.memory_space<vmem>>) offsets(%dma_start3A_79 : memref<96xi32, #tpu.memory_space<vmem>>) semaphore(%arg11 : memref<!tpu.dma_semaphore, #tpu.memory_space<semaphore_mem>>)
      } else {
      }
    }
    %scan3A_30 = arith.constant 105 : i32
    %barrier3A_31 = arith.constant 0 : index
    tpu.barrier barrier_id(%barrier3A_31)
    %mul3A_32 = arith.constant 632 : i32
    %mul3A_33 = arith.muli %arg1, %mul3A_32 : i32
    %mul3A_34 = arith.constant 632 : i32
    %mul3A_35 = arith.muli %arg1, %mul3A_34 : i32
    "tpu.region"() ({
      %run_scoped3A = tpu.sem_alloc : memref<!tpu.dma_semaphore, #tpu.memory_space<semaphore_mem>>
      %dma_start3A_36 = arith.constant 0 : i32
      %dma_start3A_37 = tpu.memref_slice %arg6[%arg0, %mul3A_35, %dma_start3A_36] : memref<2x10112x128xf32, #tpu.memory_space<hbm>> -> memref<1x632x128xf32, #tpu.memory_space<hbm>>
      %dma_start3A_38 = tpu.memref_squeeze %dma_start3A_37 : memref<1x632x128xf32, #tpu.memory_space<hbm>> -> memref<632x128xf32, #tpu.memory_space<hbm>>
      %dma_start3A_39 = arith.constant 0 : i32
      %dma_start3A_40 = tpu.memref_slice %arg10[%mul3A_33, %dma_start3A_39] : memref<10112x128xf32, #tpu.memory_space<vmem_shared>> -> memref<632x128xf32, #tpu.memory_space<vmem_shared>>
      tpu.enqueue_dma source(%dma_start3A_40 : memref<632x128xf32, #tpu.memory_space<vmem_shared>>) target(%dma_start3A_38 : memref<632x128xf32, #tpu.memory_space<hbm>>) target_semaphore(%run_scoped3A : memref<!tpu.dma_semaphore, #tpu.memory_space<semaphore_mem>>)
      %dma_wait3A = arith.constant 0 : i32
      %dma_wait3A_41 = tpu.memref_slice %arg6[%arg0, %mul3A_35, %dma_wait3A] : memref<2x10112x128xf32, #tpu.memory_space<hbm>> -> memref<1x632x128xf32, #tpu.memory_space<hbm>>
      %dma_wait3A_42 = tpu.memref_squeeze %dma_wait3A_41 : memref<1x632x128xf32, #tpu.memory_space<hbm>> -> memref<632x128xf32, #tpu.memory_space<hbm>>
      %dma_wait3A_43 = arith.constant 0 : i32
      %dma_wait3A_44 = tpu.memref_slice %arg10[%mul3A_33, %dma_wait3A_43] : memref<10112x128xf32, #tpu.memory_space<vmem_shared>> -> memref<632x128xf32, #tpu.memory_space<vmem_shared>>
      tpu.wait_dma2 semaphore(%run_scoped3A : memref<!tpu.dma_semaphore, #tpu.memory_space<semaphore_mem>>) src(%dma_wait3A_44 : memref<632x128xf32, #tpu.memory_space<vmem_shared>>) dst(%dma_wait3A_42 : memref<632x128xf32, #tpu.memory_space<hbm>>)
      tpu.yield
    }) : () -> ()
    return
  }
}

#map = affine_map<(d0, d1) -> (0, 0)>
#map1 = affine_map<(d0, d1) -> (0)>
#map2 = affine_map<(d0, d1) -> (0, 0, 0)>
module attributes {stable_mosaic.version = 14 : i64} {
  func.func @_sc_body(%arg0: i32, %arg1: i32, %arg2: memref<10000x128xf32, #tpu.memory_space<hbm>>, %arg3: memref<322560xi32, #tpu.memory_space<hbm>>, %arg4: memref<32x105x96xi32, #tpu.memory_space<hbm>>, %arg5: memref<10112x128xf32, #tpu.memory_space<hbm>>, %arg6: memref<2x10112x128xf32, #tpu.memory_space<hbm>>, %arg7: memref<10080xi32, #tpu.memory_space<vmem>>, %arg8: memref<105x96xi32, #tpu.memory_space<vmem>>, %arg9: memref<2x96x128xf32, #tpu.memory_space<vmem>>, %arg10: memref<10112x128xf32, #tpu.memory_space<vmem_shared>>, %arg11: memref<!tpu.dma_semaphore, #tpu.memory_space<semaphore_mem>>, %arg12: memref<!tpu.dma_semaphore, #tpu.memory_space<semaphore_mem>>) attributes {dimension_semantics = [#tpu.dimension_semantics<core_parallel>, #tpu.dimension_semantics<subcore_parallel>], iteration_bounds = array<i64: 2, 16>, scalar_prefetch = 0 : i64, scratch_operands = 6 : i64, tpu.core_type = #tpu.core_type<sc_vector_subcore>, window_params = [{transform_indices = #map}, {transform_indices = #map1}, {transform_indices = #map2}, {transform_indices = #map}, {transform_indices = #map2}]} {
    %mul3A = arith.constant 16 : i32
    %mul3A_0 = arith.muli %arg0, %mul3A : i32
    %add3A = arith.addi %mul3A_0, %arg1 : i32
    %mul3A_1 = arith.constant 632 : i32
    %mul3A_2 = arith.muli %arg1, %mul3A_1 : i32
    %mul3A_3 = arith.constant 632 : i32
    %mul3A_4 = arith.muli %arg1, %mul3A_3 : i32
    "tpu.region"() ({
      %run_scoped3A = tpu.sem_alloc : memref<!tpu.dma_semaphore, #tpu.memory_space<semaphore_mem>>
      %dma_start3A_36 = arith.constant 0 : i32
      %dma_start3A_37 = tpu.memref_slice %arg10[%mul3A_4, %dma_start3A_36] : memref<10112x128xf32, #tpu.memory_space<vmem_shared>> -> memref<632x128xf32, #tpu.memory_space<vmem_shared>>
      %dma_start3A_38 = arith.constant 0 : i32
      %dma_start3A_39 = tpu.memref_slice %arg5[%mul3A_2, %dma_start3A_38] : memref<10112x128xf32, #tpu.memory_space<hbm>> -> memref<632x128xf32, #tpu.memory_space<hbm>>
      tpu.enqueue_dma source(%dma_start3A_39 : memref<632x128xf32, #tpu.memory_space<hbm>>) target(%dma_start3A_37 : memref<632x128xf32, #tpu.memory_space<vmem_shared>>) target_semaphore(%run_scoped3A : memref<!tpu.dma_semaphore, #tpu.memory_space<semaphore_mem>>)
      %dma_wait3A = arith.constant 0 : i32
      %dma_wait3A_40 = tpu.memref_slice %arg10[%mul3A_4, %dma_wait3A] : memref<10112x128xf32, #tpu.memory_space<vmem_shared>> -> memref<632x128xf32, #tpu.memory_space<vmem_shared>>
      %dma_wait3A_41 = arith.constant 0 : i32
      %dma_wait3A_42 = tpu.memref_slice %arg5[%mul3A_2, %dma_wait3A_41] : memref<10112x128xf32, #tpu.memory_space<hbm>> -> memref<632x128xf32, #tpu.memory_space<hbm>>
      tpu.wait_dma2 semaphore(%run_scoped3A : memref<!tpu.dma_semaphore, #tpu.memory_space<semaphore_mem>>) src(%dma_wait3A_42 : memref<632x128xf32, #tpu.memory_space<hbm>>) dst(%dma_wait3A_40 : memref<632x128xf32, #tpu.memory_space<vmem_shared>>)
      tpu.yield
    }) : () -> ()
    %mul3A_5 = arith.constant 10080 : i32
    %mul3A_6 = arith.muli %add3A, %mul3A_5 : i32
    "tpu.region"() ({
      %run_scoped3A = tpu.sem_alloc : memref<!tpu.dma_semaphore, #tpu.memory_space<semaphore_mem>>
      %dma_start3A_36 = tpu.memref_slice %arg3[%mul3A_6] : memref<322560xi32, #tpu.memory_space<hbm>> -> memref<10080xi32, #tpu.memory_space<hbm>>
      %dma_start3A_37 = tpu.memref_slice %arg3[%mul3A_6] : memref<322560xi32, #tpu.memory_space<hbm>> -> memref<10080xi32, #tpu.memory_space<hbm>>
      tpu.enqueue_dma source(%dma_start3A_37 : memref<10080xi32, #tpu.memory_space<hbm>>) target(%arg7 : memref<10080xi32, #tpu.memory_space<vmem>>) target_semaphore(%run_scoped3A : memref<!tpu.dma_semaphore, #tpu.memory_space<semaphore_mem>>)
      %dma_wait3A = tpu.memref_slice %arg3[%mul3A_6] : memref<322560xi32, #tpu.memory_space<hbm>> -> memref<10080xi32, #tpu.memory_space<hbm>>
      %dma_wait3A_38 = tpu.memref_slice %arg3[%mul3A_6] : memref<322560xi32, #tpu.memory_space<hbm>> -> memref<10080xi32, #tpu.memory_space<hbm>>
      tpu.wait_dma2 semaphore(%run_scoped3A : memref<!tpu.dma_semaphore, #tpu.memory_space<semaphore_mem>>) src(%dma_wait3A_38 : memref<10080xi32, #tpu.memory_space<hbm>>) dst(%arg7 : memref<10080xi32, #tpu.memory_space<vmem>>)
      tpu.yield
    }) : () -> ()
    "tpu.region"() ({
      %run_scoped3A = tpu.sem_alloc : memref<!tpu.dma_semaphore, #tpu.memory_space<semaphore_mem>>
      %dma_start3A_36 = arith.constant 0 : i32
      %dma_start3A_37 = arith.constant 0 : i32
      %dma_start3A_38 = tpu.memref_slice %arg4[%add3A, %dma_start3A_36, %dma_start3A_37] : memref<32x105x96xi32, #tpu.memory_space<hbm>> -> memref<1x105x96xi32, #tpu.memory_space<hbm>>
      %dma_start3A_39 = tpu.memref_squeeze %dma_start3A_38 : memref<1x105x96xi32, #tpu.memory_space<hbm>> -> memref<105x96xi32, #tpu.memory_space<hbm>>
      %dma_start3A_40 = arith.constant 0 : i32
      %dma_start3A_41 = arith.constant 0 : i32
      %dma_start3A_42 = tpu.memref_slice %arg4[%add3A, %dma_start3A_40, %dma_start3A_41] : memref<32x105x96xi32, #tpu.memory_space<hbm>> -> memref<1x105x96xi32, #tpu.memory_space<hbm>>
      %dma_start3A_43 = tpu.memref_squeeze %dma_start3A_42 : memref<1x105x96xi32, #tpu.memory_space<hbm>> -> memref<105x96xi32, #tpu.memory_space<hbm>>
      tpu.enqueue_dma source(%dma_start3A_43 : memref<105x96xi32, #tpu.memory_space<hbm>>) target(%arg8 : memref<105x96xi32, #tpu.memory_space<vmem>>) target_semaphore(%run_scoped3A : memref<!tpu.dma_semaphore, #tpu.memory_space<semaphore_mem>>)
      %dma_wait3A = arith.constant 0 : i32
      %dma_wait3A_44 = arith.constant 0 : i32
      %dma_wait3A_45 = tpu.memref_slice %arg4[%add3A, %dma_wait3A, %dma_wait3A_44] : memref<32x105x96xi32, #tpu.memory_space<hbm>> -> memref<1x105x96xi32, #tpu.memory_space<hbm>>
      %dma_wait3A_46 = tpu.memref_squeeze %dma_wait3A_45 : memref<1x105x96xi32, #tpu.memory_space<hbm>> -> memref<105x96xi32, #tpu.memory_space<hbm>>
      %dma_wait3A_47 = arith.constant 0 : i32
      %dma_wait3A_48 = arith.constant 0 : i32
      %dma_wait3A_49 = tpu.memref_slice %arg4[%add3A, %dma_wait3A_47, %dma_wait3A_48] : memref<32x105x96xi32, #tpu.memory_space<hbm>> -> memref<1x105x96xi32, #tpu.memory_space<hbm>>
      %dma_wait3A_50 = tpu.memref_squeeze %dma_wait3A_49 : memref<1x105x96xi32, #tpu.memory_space<hbm>> -> memref<105x96xi32, #tpu.memory_space<hbm>>
      tpu.wait_dma2 semaphore(%run_scoped3A : memref<!tpu.dma_semaphore, #tpu.memory_space<semaphore_mem>>) src(%dma_wait3A_50 : memref<105x96xi32, #tpu.memory_space<hbm>>) dst(%arg8 : memref<105x96xi32, #tpu.memory_space<vmem>>)
      tpu.yield
    }) : () -> ()
    %barrier3A = arith.constant 0 : index
    tpu.barrier barrier_id(%barrier3A)
    %dma_start3A = arith.constant 0 : i32
    %dma_start3A_7 = arith.constant 0 : i32
    %dma_start3A_8 = arith.constant 0 : i32
    %dma_start3A_9 = tpu.memref_slice %arg9[%dma_start3A, %dma_start3A_7, %dma_start3A_8] : memref<2x96x128xf32, #tpu.memory_space<vmem>> -> memref<1x96x128xf32, #tpu.memory_space<vmem>>
    %dma_start3A_10 = tpu.memref_squeeze %dma_start3A_9 : memref<1x96x128xf32, #tpu.memory_space<vmem>> -> memref<96x128xf32, #tpu.memory_space<vmem>>
    %dma_start3A_11 = arith.constant 0 : i32
    %dma_start3A_12 = tpu.memref_slice %arg7[%dma_start3A_11] : memref<10080xi32, #tpu.memory_space<vmem>> -> memref<96xi32, #tpu.memory_space<vmem>>
    %dma_start3A_13 = arith.constant 0 : i32
    %dma_start3A_14 = arith.constant 0 : i32
    %dma_start3A_15 = tpu.memref_slice %arg2[%dma_start3A_13, %dma_start3A_14] : memref<10000x128xf32, #tpu.memory_space<hbm>> -> memref<10000x128xf32, #tpu.memory_space<hbm>>
    tpu.enqueue_indirect_dma source(%dma_start3A_15 : memref<10000x128xf32, #tpu.memory_space<hbm>>) target(%dma_start3A_10 : memref<96x128xf32, #tpu.memory_space<vmem>>) offsets(%dma_start3A_12 : memref<96xi32, #tpu.memory_space<vmem>>) semaphore(%arg11 : memref<!tpu.dma_semaphore, #tpu.memory_space<semaphore_mem>>)
    %dma_start3A_16 = arith.constant 1 : i32
    %dma_start3A_17 = arith.constant 0 : i32
    %dma_start3A_18 = arith.constant 0 : i32
    %dma_start3A_19 = tpu.memref_slice %arg9[%dma_start3A_16, %dma_start3A_17, %dma_start3A_18] : memref<2x96x128xf32, #tpu.memory_space<vmem>> -> memref<1x96x128xf32, #tpu.memory_space<vmem>>
    %dma_start3A_20 = tpu.memref_squeeze %dma_start3A_19 : memref<1x96x128xf32, #tpu.memory_space<vmem>> -> memref<96x128xf32, #tpu.memory_space<vmem>>
    %dma_start3A_21 = arith.constant 96 : i32
    %dma_start3A_22 = tpu.memref_slice %arg7[%dma_start3A_21] : memref<10080xi32, #tpu.memory_space<vmem>> -> memref<96xi32, #tpu.memory_space<vmem>>
    %dma_start3A_23 = arith.constant 0 : i32
    %dma_start3A_24 = arith.constant 0 : i32
    %dma_start3A_25 = tpu.memref_slice %arg2[%dma_start3A_23, %dma_start3A_24] : memref<10000x128xf32, #tpu.memory_space<hbm>> -> memref<10000x128xf32, #tpu.memory_space<hbm>>
    tpu.enqueue_indirect_dma source(%dma_start3A_25 : memref<10000x128xf32, #tpu.memory_space<hbm>>) target(%dma_start3A_20 : memref<96x128xf32, #tpu.memory_space<vmem>>) offsets(%dma_start3A_22 : memref<96xi32, #tpu.memory_space<vmem>>) semaphore(%arg11 : memref<!tpu.dma_semaphore, #tpu.memory_space<semaphore_mem>>)
    %scan3A = arith.constant 0 : i32
    %scan3A_26 = arith.constant 0 : i32
    %scan3A_27 = arith.constant 105 : i32
    %scan3A_28 = arith.addi %scan3A_26, %scan3A_27 : i32
    %scan3A_29 = arith.constant 1 : i32
    scf.for %scan3A_36 = %scan3A_26 to %scan3A_28 step %scan3A_29  : i32 {
      %rem3A = arith.constant 2 : i32
      %rem3A_37 = arith.remsi %scan3A_36, %rem3A : i32
      %mul3A_38 = arith.constant 96 : i32
      %mul3A_39 = arith.muli %scan3A_36, %mul3A_38 : i32
      %dma_wait3A = arith.constant 0 : i32
      %dma_wait3A_40 = arith.constant 0 : i32
      %dma_wait3A_41 = tpu.memref_slice %arg9[%rem3A_37, %dma_wait3A, %dma_wait3A_40] : memref<2x96x128xf32, #tpu.memory_space<vmem>> -> memref<1x96x128xf32, #tpu.memory_space<vmem>>
      %dma_wait3A_42 = tpu.memref_squeeze %dma_wait3A_41 : memref<1x96x128xf32, #tpu.memory_space<vmem>> -> memref<96x128xf32, #tpu.memory_space<vmem>>
      %dma_wait3A_43 = tpu.memref_slice %arg7[%mul3A_39] : memref<10080xi32, #tpu.memory_space<vmem>> -> memref<96xi32, #tpu.memory_space<vmem>>
      %dma_wait3A_44 = arith.constant 0 : i32
      %dma_wait3A_45 = arith.constant 0 : i32
      %dma_wait3A_46 = tpu.memref_slice %arg2[%dma_wait3A_44, %dma_wait3A_45] : memref<10000x128xf32, #tpu.memory_space<hbm>> -> memref<10000x128xf32, #tpu.memory_space<hbm>>
      tpu.wait_indirect_dma semaphore(%arg11 : memref<!tpu.dma_semaphore, #tpu.memory_space<semaphore_mem>>) src(%dma_wait3A_46 : memref<10000x128xf32, #tpu.memory_space<hbm>>) dst(%dma_wait3A_42 : memref<96x128xf32, #tpu.memory_space<vmem>>)
      %dma_start3A_47 = arith.constant 0 : i32
      %dma_start3A_48 = arith.constant 0 : i32
      %dma_start3A_49 = tpu.memref_slice %arg9[%rem3A_37, %dma_start3A_47, %dma_start3A_48] : memref<2x96x128xf32, #tpu.memory_space<vmem>> -> memref<1x96x128xf32, #tpu.memory_space<vmem>>
      %dma_start3A_50 = tpu.memref_squeeze %dma_start3A_49 : memref<1x96x128xf32, #tpu.memory_space<vmem>> -> memref<96x128xf32, #tpu.memory_space<vmem>>
      %dma_start3A_51 = arith.constant 0 : i32
      %dma_start3A_52 = tpu.memref_slice %arg8[%scan3A_36, %dma_start3A_51] : memref<105x96xi32, #tpu.memory_space<vmem>> -> memref<1x96xi32, #tpu.memory_space<vmem>>
      %dma_start3A_53 = tpu.memref_squeeze %dma_start3A_52 : memref<1x96xi32, #tpu.memory_space<vmem>> -> memref<96xi32, #tpu.memory_space<vmem>>
      %dma_start3A_54 = arith.constant 0 : i32
      %dma_start3A_55 = arith.constant 0 : i32
      %dma_start3A_56 = tpu.memref_slice %arg10[%dma_start3A_54, %dma_start3A_55] : memref<10112x128xf32, #tpu.memory_space<vmem_shared>> -> memref<10112x128xf32, #tpu.memory_space<vmem_shared>>
      tpu.enqueue_indirect_dma source(%dma_start3A_50 : memref<96x128xf32, #tpu.memory_space<vmem>>) target(%dma_start3A_56 : memref<10112x128xf32, #tpu.memory_space<vmem_shared>>) offsets(%dma_start3A_53 : memref<96xi32, #tpu.memory_space<vmem>>) semaphore(%arg12 : memref<!tpu.dma_semaphore, #tpu.memory_space<semaphore_mem>>) {add = true}
      %dma_wait3A_57 = arith.constant 0 : i32
      %dma_wait3A_58 = arith.constant 0 : i32
      %dma_wait3A_59 = tpu.memref_slice %arg9[%rem3A_37, %dma_wait3A_57, %dma_wait3A_58] : memref<2x96x128xf32, #tpu.memory_space<vmem>> -> memref<1x96x128xf32, #tpu.memory_space<vmem>>
      %dma_wait3A_60 = tpu.memref_squeeze %dma_wait3A_59 : memref<1x96x128xf32, #tpu.memory_space<vmem>> -> memref<96x128xf32, #tpu.memory_space<vmem>>
      %dma_wait3A_61 = arith.constant 0 : i32
      %dma_wait3A_62 = tpu.memref_slice %arg8[%scan3A_36, %dma_wait3A_61] : memref<105x96xi32, #tpu.memory_space<vmem>> -> memref<1x96xi32, #tpu.memory_space<vmem>>
      %dma_wait3A_63 = tpu.memref_squeeze %dma_wait3A_62 : memref<1x96xi32, #tpu.memory_space<vmem>> -> memref<96xi32, #tpu.memory_space<vmem>>
      %dma_wait3A_64 = arith.constant 0 : i32
      %dma_wait3A_65 = arith.constant 0 : i32
      %dma_wait3A_66 = tpu.memref_slice %arg10[%dma_wait3A_64, %dma_wait3A_65] : memref<10112x128xf32, #tpu.memory_space<vmem_shared>> -> memref<10112x128xf32, #tpu.memory_space<vmem_shared>>
      tpu.wait_indirect_dma semaphore(%arg12 : memref<!tpu.dma_semaphore, #tpu.memory_space<semaphore_mem>>) src(%dma_wait3A_60 : memref<96x128xf32, #tpu.memory_space<vmem>>) dst(%dma_wait3A_66 : memref<10112x128xf32, #tpu.memory_space<vmem_shared>>)
      %add3A_67 = arith.constant 2 : i32
      %add3A_68 = arith.addi %scan3A_36, %add3A_67 : i32
      %lt3A = arith.constant 105 : i32
      %lt3A_69 = arith.cmpi slt, %add3A_68, %lt3A : i32
      %convert_element_type3A = arith.extui %lt3A_69 : i1 to i32
      %cond3A = arith.constant 0 : i32
      %cond3A_70 = arith.cmpi ne, %convert_element_type3A, %cond3A : i32
      scf.if %cond3A_70 {
        %add3A_71 = arith.constant 2 : i32
        %add3A_72 = arith.addi %scan3A_36, %add3A_71 : i32
        %mul3A_73 = arith.constant 96 : i32
        %mul3A_74 = arith.muli %add3A_72, %mul3A_73 : i32
        %dma_start3A_75 = arith.constant 0 : i32
        %dma_start3A_76 = arith.constant 0 : i32
        %dma_start3A_77 = tpu.memref_slice %arg9[%rem3A_37, %dma_start3A_75, %dma_start3A_76] : memref<2x96x128xf32, #tpu.memory_space<vmem>> -> memref<1x96x128xf32, #tpu.memory_space<vmem>>
        %dma_start3A_78 = tpu.memref_squeeze %dma_start3A_77 : memref<1x96x128xf32, #tpu.memory_space<vmem>> -> memref<96x128xf32, #tpu.memory_space<vmem>>
        %dma_start3A_79 = tpu.memref_slice %arg7[%mul3A_74] : memref<10080xi32, #tpu.memory_space<vmem>> -> memref<96xi32, #tpu.memory_space<vmem>>
        %dma_start3A_80 = arith.constant 0 : i32
        %dma_start3A_81 = arith.constant 0 : i32
        %dma_start3A_82 = tpu.memref_slice %arg2[%dma_start3A_80, %dma_start3A_81] : memref<10000x128xf32, #tpu.memory_space<hbm>> -> memref<10000x128xf32, #tpu.memory_space<hbm>>
        tpu.enqueue_indirect_dma source(%dma_start3A_82 : memref<10000x128xf32, #tpu.memory_space<hbm>>) target(%dma_start3A_78 : memref<96x128xf32, #tpu.memory_space<vmem>>) offsets(%dma_start3A_79 : memref<96xi32, #tpu.memory_space<vmem>>) semaphore(%arg11 : memref<!tpu.dma_semaphore, #tpu.memory_space<semaphore_mem>>)
      } else {
      }
    }
    %scan3A_30 = arith.constant 105 : i32
    %barrier3A_31 = arith.constant 0 : index
    tpu.barrier barrier_id(%barrier3A_31)
    %mul3A_32 = arith.constant 632 : i32
    %mul3A_33 = arith.muli %arg1, %mul3A_32 : i32
    %mul3A_34 = arith.constant 632 : i32
    %mul3A_35 = arith.muli %arg1, %mul3A_34 : i32
    "tpu.region"() ({
      %run_scoped3A = tpu.sem_alloc : memref<!tpu.dma_semaphore, #tpu.memory_space<semaphore_mem>>
      %dma_start3A_36 = arith.constant 0 : i32
      %dma_start3A_37 = tpu.memref_slice %arg6[%arg0, %mul3A_35, %dma_start3A_36] : memref<2x10112x128xf32, #tpu.memory_space<hbm>> -> memref<1x632x128xf32, #tpu.memory_space<hbm>>
      %dma_start3A_38 = tpu.memref_squeeze %dma_start3A_37 : memref<1x632x128xf32, #tpu.memory_space<hbm>> -> memref<632x128xf32, #tpu.memory_space<hbm>>
      %dma_start3A_39 = arith.constant 0 : i32
      %dma_start3A_40 = tpu.memref_slice %arg10[%mul3A_33, %dma_start3A_39] : memref<10112x128xf32, #tpu.memory_space<vmem_shared>> -> memref<632x128xf32, #tpu.memory_space<vmem_shared>>
      tpu.enqueue_dma source(%dma_start3A_40 : memref<632x128xf32, #tpu.memory_space<vmem_shared>>) target(%dma_start3A_38 : memref<632x128xf32, #tpu.memory_space<hbm>>) target_semaphore(%run_scoped3A : memref<!tpu.dma_semaphore, #tpu.memory_space<semaphore_mem>>)
      %dma_wait3A = arith.constant 0 : i32
      %dma_wait3A_41 = tpu.memref_slice %arg6[%arg0, %mul3A_35, %dma_wait3A] : memref<2x10112x128xf32, #tpu.memory_space<hbm>> -> memref<1x632x128xf32, #tpu.memory_space<hbm>>
      %dma_wait3A_42 = tpu.memref_squeeze %dma_wait3A_41 : memref<1x632x128xf32, #tpu.memory_space<hbm>> -> memref<632x128xf32, #tpu.memory_space<hbm>>
      %dma_wait3A_43 = arith.constant 0 : i32
      %dma_wait3A_44 = tpu.memref_slice %arg10[%mul3A_33, %dma_wait3A_43] : memref<10112x128xf32, #tpu.memory_space<vmem_shared>> -> memref<632x128xf32, #tpu.memory_space<vmem_shared>>
      tpu.wait_dma2 semaphore(%run_scoped3A : memref<!tpu.dma_semaphore, #tpu.memory_space<semaphore_mem>>) src(%dma_wait3A_44 : memref<632x128xf32, #tpu.memory_space<vmem_shared>>) dst(%dma_wait3A_42 : memref<632x128xf32, #tpu.memory_space<hbm>>)
      tpu.yield
    }) : () -> ()
    return
  }
}

#map = affine_map<(d0, d1) -> (0, 0)>
#map1 = affine_map<(d0, d1) -> (0)>
#map2 = affine_map<(d0, d1) -> (0, 0, 0)>
module attributes {stable_mosaic.version = 14 : i64} {
  func.func @_sc_body(%arg0: i32, %arg1: i32, %arg2: memref<10000x128xf32, #tpu.memory_space<hbm>>, %arg3: memref<322560xi32, #tpu.memory_space<hbm>>, %arg4: memref<32x105x96xi32, #tpu.memory_space<hbm>>, %arg5: memref<10112x128xf32, #tpu.memory_space<hbm>>, %arg6: memref<2x10112x128xf32, #tpu.memory_space<hbm>>, %arg7: memref<10080xi32, #tpu.memory_space<vmem>>, %arg8: memref<105x96xi32, #tpu.memory_space<vmem>>, %arg9: memref<2x96x128xf32, #tpu.memory_space<vmem>>, %arg10: memref<10112x128xf32, #tpu.memory_space<vmem_shared>>, %arg11: memref<!tpu.dma_semaphore, #tpu.memory_space<semaphore_mem>>, %arg12: memref<!tpu.dma_semaphore, #tpu.memory_space<semaphore_mem>>) attributes {dimension_semantics = [#tpu.dimension_semantics<core_parallel>, #tpu.dimension_semantics<subcore_parallel>], iteration_bounds = array<i64: 2, 16>, scalar_prefetch = 0 : i64, scratch_operands = 6 : i64, tpu.core_type = #tpu.core_type<sc_vector_subcore>, window_params = [{transform_indices = #map}, {transform_indices = #map1}, {transform_indices = #map2}, {transform_indices = #map}, {transform_indices = #map2}]} {
    %mul3A = arith.constant 16 : i32
    %mul3A_0 = arith.muli %arg0, %mul3A : i32
    %add3A = arith.addi %mul3A_0, %arg1 : i32
    %mul3A_1 = arith.constant 632 : i32
    %mul3A_2 = arith.muli %arg1, %mul3A_1 : i32
    %mul3A_3 = arith.constant 632 : i32
    %mul3A_4 = arith.muli %arg1, %mul3A_3 : i32
    "tpu.region"() ({
      %run_scoped3A = tpu.sem_alloc : memref<!tpu.dma_semaphore, #tpu.memory_space<semaphore_mem>>
      %dma_start3A_36 = arith.constant 0 : i32
      %dma_start3A_37 = tpu.memref_slice %arg10[%mul3A_4, %dma_start3A_36] : memref<10112x128xf32, #tpu.memory_space<vmem_shared>> -> memref<632x128xf32, #tpu.memory_space<vmem_shared>>
      %dma_start3A_38 = arith.constant 0 : i32
      %dma_start3A_39 = tpu.memref_slice %arg5[%mul3A_2, %dma_start3A_38] : memref<10112x128xf32, #tpu.memory_space<hbm>> -> memref<632x128xf32, #tpu.memory_space<hbm>>
      tpu.enqueue_dma source(%dma_start3A_39 : memref<632x128xf32, #tpu.memory_space<hbm>>) target(%dma_start3A_37 : memref<632x128xf32, #tpu.memory_space<vmem_shared>>) target_semaphore(%run_scoped3A : memref<!tpu.dma_semaphore, #tpu.memory_space<semaphore_mem>>)
      %dma_wait3A = arith.constant 0 : i32
      %dma_wait3A_40 = tpu.memref_slice %arg10[%mul3A_4, %dma_wait3A] : memref<10112x128xf32, #tpu.memory_space<vmem_shared>> -> memref<632x128xf32, #tpu.memory_space<vmem_shared>>
      %dma_wait3A_41 = arith.constant 0 : i32
      %dma_wait3A_42 = tpu.memref_slice %arg5[%mul3A_2, %dma_wait3A_41] : memref<10112x128xf32, #tpu.memory_space<hbm>> -> memref<632x128xf32, #tpu.memory_space<hbm>>
      tpu.wait_dma2 semaphore(%run_scoped3A : memref<!tpu.dma_semaphore, #tpu.memory_space<semaphore_mem>>) src(%dma_wait3A_42 : memref<632x128xf32, #tpu.memory_space<hbm>>) dst(%dma_wait3A_40 : memref<632x128xf32, #tpu.memory_space<vmem_shared>>)
      tpu.yield
    }) : () -> ()
    %mul3A_5 = arith.constant 10080 : i32
    %mul3A_6 = arith.muli %add3A, %mul3A_5 : i32
    "tpu.region"() ({
      %run_scoped3A = tpu.sem_alloc : memref<!tpu.dma_semaphore, #tpu.memory_space<semaphore_mem>>
      %dma_start3A_36 = tpu.memref_slice %arg3[%mul3A_6] : memref<322560xi32, #tpu.memory_space<hbm>> -> memref<10080xi32, #tpu.memory_space<hbm>>
      %dma_start3A_37 = tpu.memref_slice %arg3[%mul3A_6] : memref<322560xi32, #tpu.memory_space<hbm>> -> memref<10080xi32, #tpu.memory_space<hbm>>
      tpu.enqueue_dma source(%dma_start3A_37 : memref<10080xi32, #tpu.memory_space<hbm>>) target(%arg7 : memref<10080xi32, #tpu.memory_space<vmem>>) target_semaphore(%run_scoped3A : memref<!tpu.dma_semaphore, #tpu.memory_space<semaphore_mem>>)
      %dma_wait3A = tpu.memref_slice %arg3[%mul3A_6] : memref<322560xi32, #tpu.memory_space<hbm>> -> memref<10080xi32, #tpu.memory_space<hbm>>
      %dma_wait3A_38 = tpu.memref_slice %arg3[%mul3A_6] : memref<322560xi32, #tpu.memory_space<hbm>> -> memref<10080xi32, #tpu.memory_space<hbm>>
      tpu.wait_dma2 semaphore(%run_scoped3A : memref<!tpu.dma_semaphore, #tpu.memory_space<semaphore_mem>>) src(%dma_wait3A_38 : memref<10080xi32, #tpu.memory_space<hbm>>) dst(%arg7 : memref<10080xi32, #tpu.memory_space<vmem>>)
      tpu.yield
    }) : () -> ()
    "tpu.region"() ({
      %run_scoped3A = tpu.sem_alloc : memref<!tpu.dma_semaphore, #tpu.memory_space<semaphore_mem>>
      %dma_start3A_36 = arith.constant 0 : i32
      %dma_start3A_37 = arith.constant 0 : i32
      %dma_start3A_38 = tpu.memref_slice %arg4[%add3A, %dma_start3A_36, %dma_start3A_37] : memref<32x105x96xi32, #tpu.memory_space<hbm>> -> memref<1x105x96xi32, #tpu.memory_space<hbm>>
      %dma_start3A_39 = tpu.memref_squeeze %dma_start3A_38 : memref<1x105x96xi32, #tpu.memory_space<hbm>> -> memref<105x96xi32, #tpu.memory_space<hbm>>
      %dma_start3A_40 = arith.constant 0 : i32
      %dma_start3A_41 = arith.constant 0 : i32
      %dma_start3A_42 = tpu.memref_slice %arg4[%add3A, %dma_start3A_40, %dma_start3A_41] : memref<32x105x96xi32, #tpu.memory_space<hbm>> -> memref<1x105x96xi32, #tpu.memory_space<hbm>>
      %dma_start3A_43 = tpu.memref_squeeze %dma_start3A_42 : memref<1x105x96xi32, #tpu.memory_space<hbm>> -> memref<105x96xi32, #tpu.memory_space<hbm>>
      tpu.enqueue_dma source(%dma_start3A_43 : memref<105x96xi32, #tpu.memory_space<hbm>>) target(%arg8 : memref<105x96xi32, #tpu.memory_space<vmem>>) target_semaphore(%run_scoped3A : memref<!tpu.dma_semaphore, #tpu.memory_space<semaphore_mem>>)
      %dma_wait3A = arith.constant 0 : i32
      %dma_wait3A_44 = arith.constant 0 : i32
      %dma_wait3A_45 = tpu.memref_slice %arg4[%add3A, %dma_wait3A, %dma_wait3A_44] : memref<32x105x96xi32, #tpu.memory_space<hbm>> -> memref<1x105x96xi32, #tpu.memory_space<hbm>>
      %dma_wait3A_46 = tpu.memref_squeeze %dma_wait3A_45 : memref<1x105x96xi32, #tpu.memory_space<hbm>> -> memref<105x96xi32, #tpu.memory_space<hbm>>
      %dma_wait3A_47 = arith.constant 0 : i32
      %dma_wait3A_48 = arith.constant 0 : i32
      %dma_wait3A_49 = tpu.memref_slice %arg4[%add3A, %dma_wait3A_47, %dma_wait3A_48] : memref<32x105x96xi32, #tpu.memory_space<hbm>> -> memref<1x105x96xi32, #tpu.memory_space<hbm>>
      %dma_wait3A_50 = tpu.memref_squeeze %dma_wait3A_49 : memref<1x105x96xi32, #tpu.memory_space<hbm>> -> memref<105x96xi32, #tpu.memory_space<hbm>>
      tpu.wait_dma2 semaphore(%run_scoped3A : memref<!tpu.dma_semaphore, #tpu.memory_space<semaphore_mem>>) src(%dma_wait3A_50 : memref<105x96xi32, #tpu.memory_space<hbm>>) dst(%arg8 : memref<105x96xi32, #tpu.memory_space<vmem>>)
      tpu.yield
    }) : () -> ()
    %barrier3A = arith.constant 0 : index
    tpu.barrier barrier_id(%barrier3A)
    %dma_start3A = arith.constant 0 : i32
    %dma_start3A_7 = arith.constant 0 : i32
    %dma_start3A_8 = arith.constant 0 : i32
    %dma_start3A_9 = tpu.memref_slice %arg9[%dma_start3A, %dma_start3A_7, %dma_start3A_8] : memref<2x96x128xf32, #tpu.memory_space<vmem>> -> memref<1x96x128xf32, #tpu.memory_space<vmem>>
    %dma_start3A_10 = tpu.memref_squeeze %dma_start3A_9 : memref<1x96x128xf32, #tpu.memory_space<vmem>> -> memref<96x128xf32, #tpu.memory_space<vmem>>
    %dma_start3A_11 = arith.constant 0 : i32
    %dma_start3A_12 = tpu.memref_slice %arg7[%dma_start3A_11] : memref<10080xi32, #tpu.memory_space<vmem>> -> memref<96xi32, #tpu.memory_space<vmem>>
    %dma_start3A_13 = arith.constant 0 : i32
    %dma_start3A_14 = arith.constant 0 : i32
    %dma_start3A_15 = tpu.memref_slice %arg2[%dma_start3A_13, %dma_start3A_14] : memref<10000x128xf32, #tpu.memory_space<hbm>> -> memref<10000x128xf32, #tpu.memory_space<hbm>>
    tpu.enqueue_indirect_dma source(%dma_start3A_15 : memref<10000x128xf32, #tpu.memory_space<hbm>>) target(%dma_start3A_10 : memref<96x128xf32, #tpu.memory_space<vmem>>) offsets(%dma_start3A_12 : memref<96xi32, #tpu.memory_space<vmem>>) semaphore(%arg11 : memref<!tpu.dma_semaphore, #tpu.memory_space<semaphore_mem>>)
    %dma_start3A_16 = arith.constant 1 : i32
    %dma_start3A_17 = arith.constant 0 : i32
    %dma_start3A_18 = arith.constant 0 : i32
    %dma_start3A_19 = tpu.memref_slice %arg9[%dma_start3A_16, %dma_start3A_17, %dma_start3A_18] : memref<2x96x128xf32, #tpu.memory_space<vmem>> -> memref<1x96x128xf32, #tpu.memory_space<vmem>>
    %dma_start3A_20 = tpu.memref_squeeze %dma_start3A_19 : memref<1x96x128xf32, #tpu.memory_space<vmem>> -> memref<96x128xf32, #tpu.memory_space<vmem>>
    %dma_start3A_21 = arith.constant 96 : i32
    %dma_start3A_22 = tpu.memref_slice %arg7[%dma_start3A_21] : memref<10080xi32, #tpu.memory_space<vmem>> -> memref<96xi32, #tpu.memory_space<vmem>>
    %dma_start3A_23 = arith.constant 0 : i32
    %dma_start3A_24 = arith.constant 0 : i32
    %dma_start3A_25 = tpu.memref_slice %arg2[%dma_start3A_23, %dma_start3A_24] : memref<10000x128xf32, #tpu.memory_space<hbm>> -> memref<10000x128xf32, #tpu.memory_space<hbm>>
    tpu.enqueue_indirect_dma source(%dma_start3A_25 : memref<10000x128xf32, #tpu.memory_space<hbm>>) target(%dma_start3A_20 : memref<96x128xf32, #tpu.memory_space<vmem>>) offsets(%dma_start3A_22 : memref<96xi32, #tpu.memory_space<vmem>>) semaphore(%arg11 : memref<!tpu.dma_semaphore, #tpu.memory_space<semaphore_mem>>)
    %scan3A = arith.constant 0 : i32
    %scan3A_26 = arith.constant 0 : i32
    %scan3A_27 = arith.constant 105 : i32
    %scan3A_28 = arith.addi %scan3A_26, %scan3A_27 : i32
    %scan3A_29 = arith.constant 1 : i32
    scf.for %scan3A_36 = %scan3A_26 to %scan3A_28 step %scan3A_29  : i32 {
      %rem3A = arith.constant 2 : i32
      %rem3A_37 = arith.remsi %scan3A_36, %rem3A : i32
      %mul3A_38 = arith.constant 96 : i32
      %mul3A_39 = arith.muli %scan3A_36, %mul3A_38 : i32
      %dma_wait3A = arith.constant 0 : i32
      %dma_wait3A_40 = arith.constant 0 : i32
      %dma_wait3A_41 = tpu.memref_slice %arg9[%rem3A_37, %dma_wait3A, %dma_wait3A_40] : memref<2x96x128xf32, #tpu.memory_space<vmem>> -> memref<1x96x128xf32, #tpu.memory_space<vmem>>
      %dma_wait3A_42 = tpu.memref_squeeze %dma_wait3A_41 : memref<1x96x128xf32, #tpu.memory_space<vmem>> -> memref<96x128xf32, #tpu.memory_space<vmem>>
      %dma_wait3A_43 = tpu.memref_slice %arg7[%mul3A_39] : memref<10080xi32, #tpu.memory_space<vmem>> -> memref<96xi32, #tpu.memory_space<vmem>>
      %dma_wait3A_44 = arith.constant 0 : i32
      %dma_wait3A_45 = arith.constant 0 : i32
      %dma_wait3A_46 = tpu.memref_slice %arg2[%dma_wait3A_44, %dma_wait3A_45] : memref<10000x128xf32, #tpu.memory_space<hbm>> -> memref<10000x128xf32, #tpu.memory_space<hbm>>
      tpu.wait_indirect_dma semaphore(%arg11 : memref<!tpu.dma_semaphore, #tpu.memory_space<semaphore_mem>>) src(%dma_wait3A_46 : memref<10000x128xf32, #tpu.memory_space<hbm>>) dst(%dma_wait3A_42 : memref<96x128xf32, #tpu.memory_space<vmem>>)
      %dma_start3A_47 = arith.constant 0 : i32
      %dma_start3A_48 = arith.constant 0 : i32
      %dma_start3A_49 = tpu.memref_slice %arg9[%rem3A_37, %dma_start3A_47, %dma_start3A_48] : memref<2x96x128xf32, #tpu.memory_space<vmem>> -> memref<1x96x128xf32, #tpu.memory_space<vmem>>
      %dma_start3A_50 = tpu.memref_squeeze %dma_start3A_49 : memref<1x96x128xf32, #tpu.memory_space<vmem>> -> memref<96x128xf32, #tpu.memory_space<vmem>>
      %dma_start3A_51 = arith.constant 0 : i32
      %dma_start3A_52 = tpu.memref_slice %arg8[%scan3A_36, %dma_start3A_51] : memref<105x96xi32, #tpu.memory_space<vmem>> -> memref<1x96xi32, #tpu.memory_space<vmem>>
      %dma_start3A_53 = tpu.memref_squeeze %dma_start3A_52 : memref<1x96xi32, #tpu.memory_space<vmem>> -> memref<96xi32, #tpu.memory_space<vmem>>
      %dma_start3A_54 = arith.constant 0 : i32
      %dma_start3A_55 = arith.constant 0 : i32
      %dma_start3A_56 = tpu.memref_slice %arg10[%dma_start3A_54, %dma_start3A_55] : memref<10112x128xf32, #tpu.memory_space<vmem_shared>> -> memref<10112x128xf32, #tpu.memory_space<vmem_shared>>
      tpu.enqueue_indirect_dma source(%dma_start3A_50 : memref<96x128xf32, #tpu.memory_space<vmem>>) target(%dma_start3A_56 : memref<10112x128xf32, #tpu.memory_space<vmem_shared>>) offsets(%dma_start3A_53 : memref<96xi32, #tpu.memory_space<vmem>>) semaphore(%arg12 : memref<!tpu.dma_semaphore, #tpu.memory_space<semaphore_mem>>) {add = true}
      %dma_wait3A_57 = arith.constant 0 : i32
      %dma_wait3A_58 = arith.constant 0 : i32
      %dma_wait3A_59 = tpu.memref_slice %arg9[%rem3A_37, %dma_wait3A_57, %dma_wait3A_58] : memref<2x96x128xf32, #tpu.memory_space<vmem>> -> memref<1x96x128xf32, #tpu.memory_space<vmem>>
      %dma_wait3A_60 = tpu.memref_squeeze %dma_wait3A_59 : memref<1x96x128xf32, #tpu.memory_space<vmem>> -> memref<96x128xf32, #tpu.memory_space<vmem>>
      %dma_wait3A_61 = arith.constant 0 : i32
      %dma_wait3A_62 = tpu.memref_slice %arg8[%scan3A_36, %dma_wait3A_61] : memref<105x96xi32, #tpu.memory_space<vmem>> -> memref<1x96xi32, #tpu.memory_space<vmem>>
      %dma_wait3A_63 = tpu.memref_squeeze %dma_wait3A_62 : memref<1x96xi32, #tpu.memory_space<vmem>> -> memref<96xi32, #tpu.memory_space<vmem>>
      %dma_wait3A_64 = arith.constant 0 : i32
      %dma_wait3A_65 = arith.constant 0 : i32
      %dma_wait3A_66 = tpu.memref_slice %arg10[%dma_wait3A_64, %dma_wait3A_65] : memref<10112x128xf32, #tpu.memory_space<vmem_shared>> -> memref<10112x128xf32, #tpu.memory_space<vmem_shared>>
      tpu.wait_indirect_dma semaphore(%arg12 : memref<!tpu.dma_semaphore, #tpu.memory_space<semaphore_mem>>) src(%dma_wait3A_60 : memref<96x128xf32, #tpu.memory_space<vmem>>) dst(%dma_wait3A_66 : memref<10112x128xf32, #tpu.memory_space<vmem_shared>>)
      %add3A_67 = arith.constant 2 : i32
      %add3A_68 = arith.addi %scan3A_36, %add3A_67 : i32
      %lt3A = arith.constant 105 : i32
      %lt3A_69 = arith.cmpi slt, %add3A_68, %lt3A : i32
      %convert_element_type3A = arith.extui %lt3A_69 : i1 to i32
      %cond3A = arith.constant 0 : i32
      %cond3A_70 = arith.cmpi ne, %convert_element_type3A, %cond3A : i32
      scf.if %cond3A_70 {
        %add3A_71 = arith.constant 2 : i32
        %add3A_72 = arith.addi %scan3A_36, %add3A_71 : i32
        %mul3A_73 = arith.constant 96 : i32
        %mul3A_74 = arith.muli %add3A_72, %mul3A_73 : i32
        %dma_start3A_75 = arith.constant 0 : i32
        %dma_start3A_76 = arith.constant 0 : i32
        %dma_start3A_77 = tpu.memref_slice %arg9[%rem3A_37, %dma_start3A_75, %dma_start3A_76] : memref<2x96x128xf32, #tpu.memory_space<vmem>> -> memref<1x96x128xf32, #tpu.memory_space<vmem>>
        %dma_start3A_78 = tpu.memref_squeeze %dma_start3A_77 : memref<1x96x128xf32, #tpu.memory_space<vmem>> -> memref<96x128xf32, #tpu.memory_space<vmem>>
        %dma_start3A_79 = tpu.memref_slice %arg7[%mul3A_74] : memref<10080xi32, #tpu.memory_space<vmem>> -> memref<96xi32, #tpu.memory_space<vmem>>
        %dma_start3A_80 = arith.constant 0 : i32
        %dma_start3A_81 = arith.constant 0 : i32
        %dma_start3A_82 = tpu.memref_slice %arg2[%dma_start3A_80, %dma_start3A_81] : memref<10000x128xf32, #tpu.memory_space<hbm>> -> memref<10000x128xf32, #tpu.memory_space<hbm>>
        tpu.enqueue_indirect_dma source(%dma_start3A_82 : memref<10000x128xf32, #tpu.memory_space<hbm>>) target(%dma_start3A_78 : memref<96x128xf32, #tpu.memory_space<vmem>>) offsets(%dma_start3A_79 : memref<96xi32, #tpu.memory_space<vmem>>) semaphore(%arg11 : memref<!tpu.dma_semaphore, #tpu.memory_space<semaphore_mem>>)
      } else {
      }
    }
    %scan3A_30 = arith.constant 105 : i32
    %barrier3A_31 = arith.constant 0 : index
    tpu.barrier barrier_id(%barrier3A_31)
    %mul3A_32 = arith.constant 632 : i32
    %mul3A_33 = arith.muli %arg1, %mul3A_32 : i32
    %mul3A_34 = arith.constant 632 : i32
    %mul3A_35 = arith.muli %arg1, %mul3A_34 : i32
    "tpu.region"() ({
      %run_scoped3A = tpu.sem_alloc : memref<!tpu.dma_semaphore, #tpu.memory_space<semaphore_mem>>
      %dma_start3A_36 = arith.constant 0 : i32
      %dma_start3A_37 = tpu.memref_slice %arg6[%arg0, %mul3A_35, %dma_start3A_36] : memref<2x10112x128xf32, #tpu.memory_space<hbm>> -> memref<1x632x128xf32, #tpu.memory_space<hbm>>
      %dma_start3A_38 = tpu.memref_squeeze %dma_start3A_37 : memref<1x632x128xf32, #tpu.memory_space<hbm>> -> memref<632x128xf32, #tpu.memory_space<hbm>>
      %dma_start3A_39 = arith.constant 0 : i32
      %dma_start3A_40 = tpu.memref_slice %arg10[%mul3A_33, %dma_start3A_39] : memref<10112x128xf32, #tpu.memory_space<vmem_shared>> -> memref<632x128xf32, #tpu.memory_space<vmem_shared>>
      tpu.enqueue_dma source(%dma_start3A_40 : memref<632x128xf32, #tpu.memory_space<vmem_shared>>) target(%dma_start3A_38 : memref<632x128xf32, #tpu.memory_space<hbm>>) target_semaphore(%run_scoped3A : memref<!tpu.dma_semaphore, #tpu.memory_space<semaphore_mem>>)
      %dma_wait3A = arith.constant 0 : i32
      %dma_wait3A_41 = tpu.memref_slice %arg6[%arg0, %mul3A_35, %dma_wait3A] : memref<2x10112x128xf32, #tpu.memory_space<hbm>> -> memref<1x632x128xf32, #tpu.memory_space<hbm>>
      %dma_wait3A_42 = tpu.memref_squeeze %dma_wait3A_41 : memref<1x632x128xf32, #tpu.memory_space<hbm>> -> memref<632x128xf32, #tpu.memory_space<hbm>>
      %dma_wait3A_43 = arith.constant 0 : i32
      %dma_wait3A_44 = tpu.memref_slice %arg10[%mul3A_33, %dma_wait3A_43] : memref<10112x128xf32, #tpu.memory_space<vmem_shared>> -> memref<632x128xf32, #tpu.memory_space<vmem_shared>>
      tpu.wait_dma2 semaphore(%run_scoped3A : memref<!tpu.dma_semaphore, #tpu.memory_space<semaphore_mem>>) src(%dma_wait3A_44 : memref<632x128xf32, #tpu.memory_space<vmem_shared>>) dst(%dma_wait3A_42 : memref<632x128xf32, #tpu.memory_space<hbm>>)
      tpu.yield
    }) : () -> ()
    return
  }
}

module attributes {stable_mosaic.version = 14 : i64} {
  func.func @_dense_nores(%arg0: i32, %arg1: memref<1000x128xf32, #tpu.memory_space<vmem>>, %arg2: memref<2x1000x128xf32, #tpu.memory_space<vmem>>, %arg3: memref<128x128xf32, #tpu.memory_space<vmem>>, %arg4: memref<128x128xf32, #tpu.memory_space<vmem>>, %arg5: memref<1x128xf32, #tpu.memory_space<vmem>>, %arg6: memref<1000x128xf32, #tpu.memory_space<vmem>>) attributes {dimension_semantics = [#tpu.dimension_semantics<arbitrary>], iteration_bounds = array<i64: 10>, scalar_prefetch = 0 : i64, scratch_operands = 0 : i64, tpu.core_type = #tpu.core_type<tc>, window_params = [{transform_indices = @transform_0, window_bounds = array<i64: 1000, 128>}, {transform_indices = @transform_1, window_bounds = array<i64: 2, 1000, 128>}, {pipeline_mode = #tpu.pipeline_mode<synchronous>, transform_indices = @transform_2, window_bounds = array<i64: 128, 128>}, {pipeline_mode = #tpu.pipeline_mode<synchronous>, transform_indices = @transform_3, window_bounds = array<i64: 128, 128>}, {pipeline_mode = #tpu.pipeline_mode<synchronous>, transform_indices = @transform_4, window_bounds = array<i64: 1, 128>}, {transform_indices = @transform_5, window_bounds = array<i64: 1000, 128>}]} {
    %get3A = arith.constant 0 : index
    %get3A_0 = arith.constant 0 : index
    %get3A_1 = vector.load %arg1[%get3A, %get3A_0] : memref<1000x128xf32, #tpu.memory_space<vmem>>, vector<1000x128xf32>
    %get3A_2 = arith.constant 0 : index
    %get3A_3 = arith.constant 0 : index
    %get3A_4 = vector.load %arg3[%get3A_2, %get3A_3] : memref<128x128xf32, #tpu.memory_space<vmem>>, vector<128x128xf32>
    %dot_general3A = arith.constant dense<0.000000e+00> : vector<1000x128xf32>
    %dot_general3A_5 = tpu.matmul %get3A_1, %get3A_4, %dot_general3A {dimension_numbers = #tpu.dot_dimension_numbers<[1], [0], [0], [1], [0, 0, 1, 1], [], []>, transpose_lhs_hint = false} : vector<1000x128xf32>, vector<128x128xf32>, vector<1000x128xf32> -> vector<1000x128xf32>
    %get3A_6 = arith.constant 0 : index
    %get3A_7 = arith.constant 0 : index
    %get3A_8 = arith.constant 0 : index
    %get3A_9 = vector.load %arg2[%get3A_6, %get3A_7, %get3A_8] : memref<2x1000x128xf32, #tpu.memory_space<vmem>>, vector<1x1000x128xf32>
    %get3A_10 = vector.shape_cast %get3A_9 : vector<1x1000x128xf32> to vector<1000x128xf32>
    %get3A_11 = arith.constant 1 : index
    %get3A_12 = arith.constant 0 : index
    %get3A_13 = arith.constant 0 : index
    %get3A_14 = vector.load %arg2[%get3A_11, %get3A_12, %get3A_13] : memref<2x1000x128xf32, #tpu.memory_space<vmem>>, vector<1x1000x128xf32>
    %get3A_15 = vector.shape_cast %get3A_14 : vector<1x1000x128xf32> to vector<1000x128xf32>
    %add3A = arith.addf %get3A_10, %get3A_15 : vector<1000x128xf32>
    %get3A_16 = arith.constant 0 : index
    %get3A_17 = arith.constant 0 : index
    %get3A_18 = vector.load %arg4[%get3A_16, %get3A_17] : memref<128x128xf32, #tpu.memory_space<vmem>>, vector<128x128xf32>
    %dot_general3A_19 = arith.constant dense<0.000000e+00> : vector<1000x128xf32>
    %dot_general3A_20 = tpu.matmul %add3A, %get3A_18, %dot_general3A_19 {dimension_numbers = #tpu.dot_dimension_numbers<[1], [0], [0], [1], [0, 0, 1, 1], [], []>, transpose_lhs_hint = false} : vector<1000x128xf32>, vector<128x128xf32>, vector<1000x128xf32> -> vector<1000x128xf32>
    %add3A_21 = arith.addf %dot_general3A_5, %dot_general3A_20 : vector<1000x128xf32>
    %get3A_22 = arith.constant 0 : index
    %get3A_23 = arith.constant 0 : index
    %get3A_24 = vector.load %arg5[%get3A_22, %get3A_23] : memref<1x128xf32, #tpu.memory_space<vmem>>, vector<1x128xf32>
    %add3A_25 = vector.broadcast %get3A_24 : vector<1x128xf32> to vector<1000x128xf32>
    %add3A_26 = arith.addf %add3A_21, %add3A_25 : vector<1000x128xf32>
    %max3A = arith.constant 0.000000e+00 : f32
    %max3A_27 = vector.broadcast %max3A : f32 to vector<1000x128xf32>
    %max3A_28 = arith.maximumf %add3A_26, %max3A_27 : vector<1000x128xf32>
    %swap3A = arith.constant 0 : index
    %swap3A_29 = arith.constant 0 : index
    %swap3A_30 = vector.load %arg6[%swap3A, %swap3A_29] : memref<1000x128xf32, #tpu.memory_space<vmem>>, vector<1000x128xf32>
    tpu.vector_store %arg6[%swap3A, %swap3A_29], %max3A_28 {strides = array<i32>} : memref<1000x128xf32, #tpu.memory_space<vmem>>, vector<1000x128xf32>,
    return
  }
  func.func @transform_0(%arg0: i32) -> (i32, i32) {
    %c0_i32 = arith.constant 0 : i32
    %c0_i32_0 = arith.constant 0 : i32
    return %arg0, %c0_i32 : i32, i32
  }
  func.func @transform_1(%arg0: i32) -> (i32, i32, i32) {
    %c0_i32 = arith.constant 0 : i32
    %c0_i32_0 = arith.constant 0 : i32
    %c0_i32_1 = arith.constant 0 : i32
    return %c0_i32, %arg0, %c0_i32_0 : i32, i32, i32
  }
  func.func @transform_2(%arg0: i32) -> (i32, i32) {
    %c0_i32 = arith.constant 0 : i32
    %c0_i32_0 = arith.constant 0 : i32
    %c0_i32_1 = arith.constant 0 : i32
    return %c0_i32, %c0_i32_0 : i32, i32
  }
  func.func @transform_3(%arg0: i32) -> (i32, i32) {
    %c0_i32 = arith.constant 0 : i32
    %c0_i32_0 = arith.constant 0 : i32
    %c0_i32_1 = arith.constant 0 : i32
    return %c0_i32, %c0_i32_0 : i32, i32
  }
  func.func @transform_4(%arg0: i32) -> (i32, i32) {
    %c0_i32 = arith.constant 0 : i32
    %c0_i32_0 = arith.constant 0 : i32
    %c0_i32_1 = arith.constant 0 : i32
    return %c0_i32, %c0_i32_0 : i32, i32
  }
  func.func @transform_5(%arg0: i32) -> (i32, i32) {
    %c0_i32 = arith.constant 0 : i32
    %c0_i32_0 = arith.constant 0 : i32
    return %arg0, %c0_i32 : i32, i32
  }
}

module attributes {stable_mosaic.version = 14 : i64} {
  func.func @_dense_res(%arg0: i32, %arg1: memref<1000x128xf32, #tpu.memory_space<vmem>>, %arg2: memref<2x1000x128xf32, #tpu.memory_space<vmem>>, %arg3: memref<128x128xf32, #tpu.memory_space<vmem>>, %arg4: memref<128x128xf32, #tpu.memory_space<vmem>>, %arg5: memref<1x128xf32, #tpu.memory_space<vmem>>, %arg6: memref<1000x128xf32, #tpu.memory_space<vmem>>, %arg7: memref<1000x128xf32, #tpu.memory_space<vmem>>) attributes {dimension_semantics = [#tpu.dimension_semantics<arbitrary>], iteration_bounds = array<i64: 10>, scalar_prefetch = 0 : i64, scratch_operands = 0 : i64, tpu.core_type = #tpu.core_type<tc>, window_params = [{transform_indices = @transform_0, window_bounds = array<i64: 1000, 128>}, {transform_indices = @transform_1, window_bounds = array<i64: 2, 1000, 128>}, {pipeline_mode = #tpu.pipeline_mode<synchronous>, transform_indices = @transform_2, window_bounds = array<i64: 128, 128>}, {pipeline_mode = #tpu.pipeline_mode<synchronous>, transform_indices = @transform_3, window_bounds = array<i64: 128, 128>}, {pipeline_mode = #tpu.pipeline_mode<synchronous>, transform_indices = @transform_4, window_bounds = array<i64: 1, 128>}, {transform_indices = @transform_5, window_bounds = array<i64: 1000, 128>}, {transform_indices = @transform_6, window_bounds = array<i64: 1000, 128>}]} {
    %get3A = arith.constant 0 : index
    %get3A_0 = arith.constant 0 : index
    %get3A_1 = vector.load %arg1[%get3A, %get3A_0] : memref<1000x128xf32, #tpu.memory_space<vmem>>, vector<1000x128xf32>
    %get3A_2 = arith.constant 0 : index
    %get3A_3 = arith.constant 0 : index
    %get3A_4 = vector.load %arg3[%get3A_2, %get3A_3] : memref<128x128xf32, #tpu.memory_space<vmem>>, vector<128x128xf32>
    %dot_general3A = arith.constant dense<0.000000e+00> : vector<1000x128xf32>
    %dot_general3A_5 = tpu.matmul %get3A_1, %get3A_4, %dot_general3A {dimension_numbers = #tpu.dot_dimension_numbers<[1], [0], [0], [1], [0, 0, 1, 1], [], []>, transpose_lhs_hint = false} : vector<1000x128xf32>, vector<128x128xf32>, vector<1000x128xf32> -> vector<1000x128xf32>
    %get3A_6 = arith.constant 0 : index
    %get3A_7 = arith.constant 0 : index
    %get3A_8 = arith.constant 0 : index
    %get3A_9 = vector.load %arg2[%get3A_6, %get3A_7, %get3A_8] : memref<2x1000x128xf32, #tpu.memory_space<vmem>>, vector<1x1000x128xf32>
    %get3A_10 = vector.shape_cast %get3A_9 : vector<1x1000x128xf32> to vector<1000x128xf32>
    %get3A_11 = arith.constant 1 : index
    %get3A_12 = arith.constant 0 : index
    %get3A_13 = arith.constant 0 : index
    %get3A_14 = vector.load %arg2[%get3A_11, %get3A_12, %get3A_13] : memref<2x1000x128xf32, #tpu.memory_space<vmem>>, vector<1x1000x128xf32>
    %get3A_15 = vector.shape_cast %get3A_14 : vector<1x1000x128xf32> to vector<1000x128xf32>
    %add3A = arith.addf %get3A_10, %get3A_15 : vector<1000x128xf32>
    %get3A_16 = arith.constant 0 : index
    %get3A_17 = arith.constant 0 : index
    %get3A_18 = vector.load %arg4[%get3A_16, %get3A_17] : memref<128x128xf32, #tpu.memory_space<vmem>>, vector<128x128xf32>
    %dot_general3A_19 = arith.constant dense<0.000000e+00> : vector<1000x128xf32>
    %dot_general3A_20 = tpu.matmul %add3A, %get3A_18, %dot_general3A_19 {dimension_numbers = #tpu.dot_dimension_numbers<[1], [0], [0], [1], [0, 0, 1, 1], [], []>, transpose_lhs_hint = false} : vector<1000x128xf32>, vector<128x128xf32>, vector<1000x128xf32> -> vector<1000x128xf32>
    %add3A_21 = arith.addf %dot_general3A_5, %dot_general3A_20 : vector<1000x128xf32>
    %get3A_22 = arith.constant 0 : index
    %get3A_23 = arith.constant 0 : index
    %get3A_24 = vector.load %arg5[%get3A_22, %get3A_23] : memref<1x128xf32, #tpu.memory_space<vmem>>, vector<1x128xf32>
    %add3A_25 = vector.broadcast %get3A_24 : vector<1x128xf32> to vector<1000x128xf32>
    %add3A_26 = arith.addf %add3A_21, %add3A_25 : vector<1000x128xf32>
    %get3A_27 = arith.constant 0 : index
    %get3A_28 = arith.constant 0 : index
    %get3A_29 = vector.load %arg6[%get3A_27, %get3A_28] : memref<1000x128xf32, #tpu.memory_space<vmem>>, vector<1000x128xf32>
    %add3A_30 = arith.addf %add3A_26, %get3A_29 : vector<1000x128xf32>
    %max3A = arith.constant 0.000000e+00 : f32
    %max3A_31 = vector.broadcast %max3A : f32 to vector<1000x128xf32>
    %max3A_32 = arith.maximumf %add3A_30, %max3A_31 : vector<1000x128xf32>
    %swap3A = arith.constant 0 : index
    %swap3A_33 = arith.constant 0 : index
    %swap3A_34 = vector.load %arg7[%swap3A, %swap3A_33] : memref<1000x128xf32, #tpu.memory_space<vmem>>, vector<1000x128xf32>
    tpu.vector_store %arg7[%swap3A, %swap3A_33], %max3A_32 {strides = array<i32>} : memref<1000x128xf32, #tpu.memory_space<vmem>>, vector<1000x128xf32>,
    return
  }
  func.func @transform_0(%arg0: i32) -> (i32, i32) {
    %c0_i32 = arith.constant 0 : i32
    %c0_i32_0 = arith.constant 0 : i32
    return %arg0, %c0_i32 : i32, i32
  }
  func.func @transform_1(%arg0: i32) -> (i32, i32, i32) {
    %c0_i32 = arith.constant 0 : i32
    %c0_i32_0 = arith.constant 0 : i32
    %c0_i32_1 = arith.constant 0 : i32
    return %c0_i32, %arg0, %c0_i32_0 : i32, i32, i32
  }
  func.func @transform_2(%arg0: i32) -> (i32, i32) {
    %c0_i32 = arith.constant 0 : i32
    %c0_i32_0 = arith.constant 0 : i32
    %c0_i32_1 = arith.constant 0 : i32
    return %c0_i32, %c0_i32_0 : i32, i32
  }
  func.func @transform_3(%arg0: i32) -> (i32, i32) {
    %c0_i32 = arith.constant 0 : i32
    %c0_i32_0 = arith.constant 0 : i32
    %c0_i32_1 = arith.constant 0 : i32
    return %c0_i32, %c0_i32_0 : i32, i32
  }
  func.func @transform_4(%arg0: i32) -> (i32, i32) {
    %c0_i32 = arith.constant 0 : i32
    %c0_i32_0 = arith.constant 0 : i32
    %c0_i32_1 = arith.constant 0 : i32
    return %c0_i32, %c0_i32_0 : i32, i32
  }
  func.func @transform_5(%arg0: i32) -> (i32, i32) {
    %c0_i32 = arith.constant 0 : i32
    %c0_i32_0 = arith.constant 0 : i32
    return %arg0, %c0_i32 : i32, i32
  }
  func.func @transform_6(%arg0: i32) -> (i32, i32) {
    %c0_i32 = arith.constant 0 : i32
    %c0_i32_0 = arith.constant 0 : i32
    return %arg0, %c0_i32 : i32, i32
  }
}

module attributes {stable_mosaic.version = 14 : i64} {
  func.func @_dense_nores(%arg0: i32, %arg1: memref<1000x128xf32, #tpu.memory_space<vmem>>, %arg2: memref<2x1000x128xf32, #tpu.memory_space<vmem>>, %arg3: memref<128x128xf32, #tpu.memory_space<vmem>>, %arg4: memref<128x128xf32, #tpu.memory_space<vmem>>, %arg5: memref<1x128xf32, #tpu.memory_space<vmem>>, %arg6: memref<1000x128xf32, #tpu.memory_space<vmem>>) attributes {dimension_semantics = [#tpu.dimension_semantics<arbitrary>], iteration_bounds = array<i64: 10>, scalar_prefetch = 0 : i64, scratch_operands = 0 : i64, tpu.core_type = #tpu.core_type<tc>, window_params = [{transform_indices = @transform_0, window_bounds = array<i64: 1000, 128>}, {transform_indices = @transform_1, window_bounds = array<i64: 2, 1000, 128>}, {pipeline_mode = #tpu.pipeline_mode<synchronous>, transform_indices = @transform_2, window_bounds = array<i64: 128, 128>}, {pipeline_mode = #tpu.pipeline_mode<synchronous>, transform_indices = @transform_3, window_bounds = array<i64: 128, 128>}, {pipeline_mode = #tpu.pipeline_mode<synchronous>, transform_indices = @transform_4, window_bounds = array<i64: 1, 128>}, {transform_indices = @transform_5, window_bounds = array<i64: 1000, 128>}]} {
    %get3A = arith.constant 0 : index
    %get3A_0 = arith.constant 0 : index
    %get3A_1 = vector.load %arg1[%get3A, %get3A_0] : memref<1000x128xf32, #tpu.memory_space<vmem>>, vector<1000x128xf32>
    %get3A_2 = arith.constant 0 : index
    %get3A_3 = arith.constant 0 : index
    %get3A_4 = vector.load %arg3[%get3A_2, %get3A_3] : memref<128x128xf32, #tpu.memory_space<vmem>>, vector<128x128xf32>
    %dot_general3A = arith.constant dense<0.000000e+00> : vector<1000x128xf32>
    %dot_general3A_5 = tpu.matmul %get3A_1, %get3A_4, %dot_general3A {dimension_numbers = #tpu.dot_dimension_numbers<[1], [0], [0], [1], [0, 0, 1, 1], [], []>, transpose_lhs_hint = false} : vector<1000x128xf32>, vector<128x128xf32>, vector<1000x128xf32> -> vector<1000x128xf32>
    %get3A_6 = arith.constant 0 : index
    %get3A_7 = arith.constant 0 : index
    %get3A_8 = arith.constant 0 : index
    %get3A_9 = vector.load %arg2[%get3A_6, %get3A_7, %get3A_8] : memref<2x1000x128xf32, #tpu.memory_space<vmem>>, vector<1x1000x128xf32>
    %get3A_10 = vector.shape_cast %get3A_9 : vector<1x1000x128xf32> to vector<1000x128xf32>
    %get3A_11 = arith.constant 1 : index
    %get3A_12 = arith.constant 0 : index
    %get3A_13 = arith.constant 0 : index
    %get3A_14 = vector.load %arg2[%get3A_11, %get3A_12, %get3A_13] : memref<2x1000x128xf32, #tpu.memory_space<vmem>>, vector<1x1000x128xf32>
    %get3A_15 = vector.shape_cast %get3A_14 : vector<1x1000x128xf32> to vector<1000x128xf32>
    %add3A = arith.addf %get3A_10, %get3A_15 : vector<1000x128xf32>
    %get3A_16 = arith.constant 0 : index
    %get3A_17 = arith.constant 0 : index
    %get3A_18 = vector.load %arg4[%get3A_16, %get3A_17] : memref<128x128xf32, #tpu.memory_space<vmem>>, vector<128x128xf32>
    %dot_general3A_19 = arith.constant dense<0.000000e+00> : vector<1000x128xf32>
    %dot_general3A_20 = tpu.matmul %add3A, %get3A_18, %dot_general3A_19 {dimension_numbers = #tpu.dot_dimension_numbers<[1], [0], [0], [1], [0, 0, 1, 1], [], []>, transpose_lhs_hint = false} : vector<1000x128xf32>, vector<128x128xf32>, vector<1000x128xf32> -> vector<1000x128xf32>
    %add3A_21 = arith.addf %dot_general3A_5, %dot_general3A_20 : vector<1000x128xf32>
    %get3A_22 = arith.constant 0 : index
    %get3A_23 = arith.constant 0 : index
    %get3A_24 = vector.load %arg5[%get3A_22, %get3A_23] : memref<1x128xf32, #tpu.memory_space<vmem>>, vector<1x128xf32>
    %add3A_25 = vector.broadcast %get3A_24 : vector<1x128xf32> to vector<1000x128xf32>
    %add3A_26 = arith.addf %add3A_21, %add3A_25 : vector<1000x128xf32>
    %swap3A = arith.constant 0 : index
    %swap3A_27 = arith.constant 0 : index
    %swap3A_28 = vector.load %arg6[%swap3A, %swap3A_27] : memref<1000x128xf32, #tpu.memory_space<vmem>>, vector<1000x128xf32>
    tpu.vector_store %arg6[%swap3A, %swap3A_27], %add3A_26 {strides = array<i32>} : memref<1000x128xf32, #tpu.memory_space<vmem>>, vector<1000x128xf32>,
    return
  }
  func.func @transform_0(%arg0: i32) -> (i32, i32) {
    %c0_i32 = arith.constant 0 : i32
    %c0_i32_0 = arith.constant 0 : i32
    return %arg0, %c0_i32 : i32, i32
  }
  func.func @transform_1(%arg0: i32) -> (i32, i32, i32) {
    %c0_i32 = arith.constant 0 : i32
    %c0_i32_0 = arith.constant 0 : i32
    %c0_i32_1 = arith.constant 0 : i32
    return %c0_i32, %arg0, %c0_i32_0 : i32, i32, i32
  }
  func.func @transform_2(%arg0: i32) -> (i32, i32) {
    %c0_i32 = arith.constant 0 : i32
    %c0_i32_0 = arith.constant 0 : i32
    %c0_i32_1 = arith.constant 0 : i32
    return %c0_i32, %c0_i32_0 : i32, i32
  }
  func.func @transform_3(%arg0: i32) -> (i32, i32) {
    %c0_i32 = arith.constant 0 : i32
    %c0_i32_0 = arith.constant 0 : i32
    %c0_i32_1 = arith.constant 0 : i32
    return %c0_i32, %c0_i32_0 : i32, i32
  }
  func.func @transform_4(%arg0: i32) -> (i32, i32) {
    %c0_i32 = arith.constant 0 : i32
    %c0_i32_0 = arith.constant 0 : i32
    %c0_i32_1 = arith.constant 0 : i32
    return %c0_i32, %c0_i32_0 : i32, i32
  }
  func.func @transform_5(%arg0: i32) -> (i32, i32) {
    %c0_i32 = arith.constant 0 : i32
    %c0_i32_0 = arith.constant 0 : i32
    return %arg0, %c0_i32 : i32, i32
  }
}

</mosaic_0001>

<sc_bundles>
// kernel: kernel.10.cloned.1.call-start
scs
__scs_entry_jumppad:
0x0: {  	(pc) =	sbr.rel $0x88, $3  }
0x1: {  	(tag) =	ssettag $0x0;
	lr =	simm.s32 $0x1  }
0x2: {  	[smem:$0x3F8F] =	sst lr;
	_ =	strace $0xD0000000  }
0x3: {  	_ = 	snop  }
0x4: {  	_ = 	snop  }
0x5: {  	_ = 	snop  }
0x6: {  	_ = 	snop  }
0x7: {  	_ = 	snop  }
__scs_overlays_trampoline_lowered:
0x8: {  	[smem:$0x3F9E] =	sst s0  }
0x9: {  	[smem:$0x3F9F] =	sst s1  }
0xa: {  	[smem:$0x3FA0] =	sst s2  }
0xb: {  	[smem:$0x3FA1] =	sst s3  }
0xc: {  	[smem:$0x3FA2] =	sst s4  }
0xd: {  	[smem:$0x3FA3] =	sst s5  }
0xe: {  	[smem:$0x3FA4] =	sst s6  }
0xf: {  	[smem:$0x3FA5] =	sst s7  }
0x10: {  	[smem:$0x3FA6] =	sst s8  }
0x11: {  	[smem:$0x3FA7] =	sst s9;
	s0 =	simm.s32 @!p0 $0x0  }
0x12: {  	s1 =	sld [smem:$0x3F8D];
	s0 =	simm.s32 @p0 $0x1  }
0x13: {  	[smem:$0x3FA8] =	sst s0;
	s0 =	simm.s32 @!p1 $0x0  }
0x14: {  	s2 =	sld [smem:$0x3F8C];
	s0 =	simm.s32 @p1 $0x1  }
0x15: {  	[smem:$0x3FA9] =	sst s0;
	s0 =	simm.s32 @!p2 $0x0  }
0x16: {  	s3 =	sld [smem:$0x3FDB];
	s0 =	simm.s32 @p2 $0x1  }
0x17: {  	s4 =	simm.s32 $0x1BF5;
	[smem:$0x3FAB] =	sst s0  }
0x18: {  	s0 =	sld [smem:$0x3F8E];
	_ =	swait.ge [sflag:s4], $0x0  }
0x19: {  	s7 =	sld [smem:$0x3F8F]  }
0x1a: {  	s8 =	sadd.s32 $0xFFFFE003, lr  }
0x1b: {  	s9 =	sadd.s32 $0xFFFFFEF7, lr;
	s5 =	simm.s32 $0xFFFFFFFF;
	p2 =	slt.u32 s8, $0xFFFFF086  }
0x1c: {  	p1 =	slt.u32 s9, $0xF7A;
	s5 =	simm.s32 @!p2 $0x0  }
0x1d: {  	s5 =	simm.s32 @p1 $0x1;
	p0 =	seq.s32 s7, s2  }
0x1e: {  	s7 =	smul.u32 @!p0 $0xF7A, s2;
	p2 =	seq.s32 @!p0 s5, $0x0  }
0x1f: {  	s9 =	smul.u32 $0xF7A, s1;
	s8 =	simm.s32 @!p0 $0x1BF5;
	p2 =	por !p2, p0  }
0x20: {  	[sflag:s8] =	ssyncset.s32 @!p0 $0xFFFFF086;
	s6 =	sadd.s32 @!p0 s3, s7;
	s7 =	simm.s32 @!p0 $0x108  }
0x21: {  	s3 =	sadd.s32 s3, s9;
	s6 =	sadd.s32 @!p0 $0x88, s6;
	s7 =	simm.s32 @p2 $0x1082  }
0x22: {  	[simem:s7], [sflag:s8] =	dma.local @!p0 [hbm:s6], $0xF7A  }
0x23: {  	s9 =	sor.u32 $0xD0000000, s2;
	s6 =	simm.s32 $0x108;
	_ =	swait.ge @!p0 [sflag:s8], $0x0  }
0x24: {  	s3 =	sadd.s32 $0x88, s3;
	s6 =	simm.s32 @!p1 $0x1082;
	[sflag:s4] =	ssyncset.s32 $0xFFFFF086  }
0x25: {  	[simem:s6], [sflag:s4] =	dma.local [hbm:s3], $0xF7A  }
0x26: {  	[smem:$0x3F8F] =	sst s1;
	(tag) =	ssettag s2;
	_ =	strace s9  }
0x27: {  	s1 =	sld [smem:$0x3F9F]  }
0x28: {  	s2 =	sld [smem:$0x3FA0]  }
0x29: {  	s4 =	sld [smem:$0x3FA2]  }
0x2a: {  	p0 =	seq.s32 s5, $0x0;
	s5 =	sld [smem:$0x3FA3]  }
0x2b: {  	s6 =	sld [smem:$0x3FA4]  }
0x2c: {  	s7 =	sld [smem:$0x3FA5]  }
0x2d: {  	s3 =	simm.s32 $0x108;
	s8 =	sld [smem:$0x3FA6]  }
0x2e: {  	s3 =	simm.s32 @!p0 $0x1082;
	s9 =	sld [smem:$0x3FA7]  }
0x2f: {  	lr =	sadd.s32 s0, s3;
	s0 =	sld [smem:$0x3F9E]  }
0x30: {  	s3 =	sld [smem:$0x3FA1]  }
0x31: {  	[smem:$0x3FAA] =	sst s10  }
0x32: {  	s10 =	sld [smem:$0x3FA8];
	_ =	sdelay $0x3  }
0x33: {  	p0 =	seq.s32 s10, $0x1;
	s10 =	sld [smem:$0x3FAA];
	_ =	sdelay $0x3  }
0x34: {  	[smem:$0x3FAA] =	sst s10  }
0x35: {  	s10 =	sld [smem:$0x3FA9];
	_ =	sdelay $0x3  }
0x36: {  	p1 =	seq.s32 s10, $0x1;
	s10 =	sld [smem:$0x3FAA];
	_ =	sdelay $0x3  }
0x37: {  	[smem:$0x3FAA] =	sst s10  }
0x38: {  	s10 =	sld [smem:$0x3FAB]  }
0x39: {  	_ = 	snop;
	(pc) =	sbr.ind lr, $3  }
0x3a: {  	_ = 	snop  }
0x3b: {  	_ = 	snop  }
0x3c: {  	p2 =	seq.s32 s10, $0x1;
	s10 =	sld [smem:$0x3FAA]  }
0x3d: {  	_ =	shalt  }
0x3e: {  	_ =	shalt  }
0x3f: {  	_ =	shalt  }
0x40: {  	_ =	shalt  }
0x41: {  	_ =	shalt  }
0x42: {  	_ =	shalt  }
0x43: {  	_ =	shalt  }
0x44: {  	_ =	shalt  }
0x45: {  	_ =	shalt  }
0x46: {  	_ =	shalt  }
0x47: {  	_ =	shalt  }
0x48: {  	_ =	shalt  }
0x49: {  	_ =	shalt  }
0x4a: {  	_ =	shalt  }
0x4b: {  	_ =	shalt  }
0x4c: {  	_ =	shalt  }
0x4d: {  	_ =	shalt  }
0x4e: {  	_ =	shalt  }
0x4f: {  	_ =	shalt  }
0x50: {  	_ =	shalt  }
0x51: {  	_ =	shalt  }
0x52: {  	_ =	shalt  }
0x53: {  	_ =	shalt  }
0x54: {  	_ =	shalt  }
0x55: {  	_ =	shalt  }
0x56: {  	_ =	shalt  }
0x57: {  	_ =	shalt  }
0x58: {  	_ =	shalt  }
0x59: {  	_ =	shalt  }
0x5a: {  	_ =	shalt  }
0x5b: {  	_ =	shalt  }
0x5c: {  	_ =	shalt  }
0x5d: {  	_ =	shalt  }
0x5e: {  	_ =	shalt  }
0x5f: {  	_ =	shalt  }
0x60: {  	_ =	shalt  }
0x61: {  	_ =	shalt  }
0x62: {  	_ =	shalt  }
0x63: {  	_ =	shalt  }
0x64: {  	_ =	shalt  }
0x65: {  	_ =	shalt  }
0x66: {  	_ =	shalt  }
0x67: {  	_ =	shalt  }
0x68: {  	_ =	shalt  }
0x69: {  	_ =	shalt  }
0x6a: {  	_ =	shalt  }
0x6b: {  	_ =	shalt  }
0x6c: {  	_ =	shalt  }
0x6d: {  	_ =	shalt  }
0x6e: {  	_ =	shalt  }
0x6f: {  	_ =	shalt  }
0x70: {  	_ =	shalt  }
0x71: {  	_ =	shalt  }
0x72: {  	_ =	shalt  }
0x73: {  	_ =	shalt  }
0x74: {  	_ =	shalt  }
0x75: {  	_ =	shalt  }
0x76: {  	_ =	shalt  }
0x77: {  	_ =	shalt  }
0x78: {  	_ =	shalt  }
0x79: {  	_ =	shalt  }
0x7a: {  	_ =	shalt  }
0x7b: {  	_ =	shalt  }
0x7c: {  	_ =	shalt  }
0x7d: {  	_ =	shalt  }
0x7e: {  	_ =	shalt  }
0x7f: {  	_ =	shalt  }
0x80: {  	_ =	shalt  }
0x81: {  	_ =	shalt  }
0x82: {  	_ =	shalt  }
0x83: {  	_ =	shalt  }
0x84: {  	_ =	shalt  }
0x85: {  	_ =	shalt  }
0x86: {  	_ =	shalt  }
0x87: {  	_ =	shalt  }
.Lfunc_end0:
.L_simem_size_0:
called_computation_lowered:
.L_overlay_start_0:
0x88: {  	s2 =	sld [smem:$0x3FD9]  }
0x89: {  	s3 =	sld [smem:$0x3FFE];
	_ =	sdelay $0x1  }
0x8a: {  	s1 =	srdreg.scid  }
0x8b: {  	s0 =	sand.u32 $0x1, s1  }
0x8c: {  	s17 =	sshll.u32 s0, $0xA;
	s2 =	sadd.s32 s3, s2  }
0x8d: {  	s2 =	sadd.s32 s2, s17  }
0x8e: {  	[smem:$0x3FB6] =	sst s2  }
0x8f: {  	_ = 	snop  }
0x90: {  	s2 =	sld [smem:$0x3FC9];
	(tm) =	ssettm $0x1  }
0x91: {  	s18 =	sld [smem:$0x3FFB];
	_ =	sdelay $0x3  }
0x92: {  	_ =	strace s18  }
0x93: {  	s3 =	sld [smem:$0x3FFC];
	_ =	sdelay $0x3  }
0x94: {  	_ =	strace s3  }
0x95: {  	s3 =	sld [smem:$0x3FFD];
	_ =	sdelay $0x3  }
0x96: {  	_ =	strace s3  }
0x97: {  	_ =	strace $0x8FFFFFFF  }
0x98: {  	s19 =	sld [smem:$0x3FDB];
	_ =	sdelay $0x1  }
0x99: {  	s4 =	simm.s32 $_scs_section_size  }
0x9a: {  	s5 =	simm.s32 $_size__tile_overlayer_lowered;
	s6 =	simm.s32 $_tile_overlayer_lowered  }
0x9b: {  	s22 =	simm.s32 $0x1BFF;
	s21 =	sshll.u32 s6, $0x1;
	s3 =	sadd.s32 s4, s19  }
0x9c: {  	s7 =	simm.s32 $0x0;
	s20 =	sshll.u32 s5, $0x1;
	s5 =	sadd.s32 s21, s3  }
0x9d: {  	[timem:s7], [sflag:s22] =	dma.local [hbm:s5], s20  }
0x9e: {  	_ =	swait.ge [sflag:s22], s20  }
0x9f: {  	s4 =	ssub.s32 $0x0, s20;
	[sflag:s22] =	ssyncset.done $0x0  }
0xa0: {  	[sflag:s22] =	ssyncadd.s32 s4;
	_ =	sdelay $0x1  }
0xa1: {  	s23 =	simm.s32 $0x1B8B  }
0xa2: {  	_ =	swait.ge [sflag:s23], $0x1  }
0xa3: {  	[sflag:s23] =	ssyncset.done $0x0  }
0xa4: {  	s25 =	simm.s32 $0x1B8E;
	s24 =	sld [smem:$0x3FFE];
	[sflag:s23] =	ssyncadd.s32 $0xFFFFFFFF  }
0xa5: {  	s26 =	simm.s32 $execute0_lowered;
	[smem:$0x3FD2] =	sst s25  }
0xa6: {  	s5 =	sshll.u32 s26, $0x1;
	_ =	strace $0x80000046;
	[dreg:$0x1] =	wrdreg $0xFFFFFFFF  }
0xa7: {  	s28 =	simm.s32 $_size_execute0_lowered;
	s3 =	sadd.s32 s3, s5;
	[dreg:$0x0] =	wrdreg $0x0  }
0xa8: {  	s5 =	sshll.u32 s28, $0x1;
	[dreg:$0x2] =	wrdreg s3  }
0xa9: {  	[dreg:$0x3] =	wrdreg s5  }
0xaa: {  	[dreg:$0x4] =	wrdreg $0xC0  }
0xab: {  	_ =	task [dreg:s7], $0x5FFFF  }
0xac: {  	[dreg:$0x1] =	wrdreg $0xFFFFFFFF  }
0xad: {  	[dreg:$0x0] =	wrdreg $0x60  }
0xae: {  	[dreg:$0x2] =	wrdreg s2  }
0xaf: {  	[dreg:$0x3] =	wrdreg s24  }
0xb0: {  	[dreg:$0x4] =	wrdreg $0xBF800  }
0xb1: {  	[dreg:$0x5] =	wrdreg $0x9  }
0xb2: {  	_ =	task.clear_ibuf [dreg:s7], $0x6FFFF;
	_ =	strace $0x90000046  }
0xb3: {  	s29 =	simm.s32 $0x9;
	_ =	strace $0x80000048  }
0xb4: {  	_ =	swait.ge [sflag:s29], $0x1  }
0xb5: {  	[sflag:s29] =	ssyncadd.s32 $0xFFFFFFFF  }
0xb6: {  	_ =	strace $0x90000048  }
0xb7: {  	_ =	sfence  }
0xb8: {  	s30 =	sld [smem:$0x0];
	_ =	sdelay $0x2  }
0xb9: {  	s31 =	sshll.u32 s1, $0xD;
	s1 =	sshrl.u32 s1, $0x2  }
0xba: {  	s3 =	sand.u32 $0x4000, s31;
	s1 =	sadd.s32 s1, s30  }
0xbb: {  	s0 =	sor.u32 s3, s0;
	s1 =	sshll.u32 s1, $0x11  }
0xbc: {  	s0 =	sor.u32 s1, s0  }
0xbd: {  	s0 =	sadd.s32 $0x8F2B, s0  }
0xbe: {  	[sflag:s0] =	ssyncadd.remote.s32 $0x1  }
0xbf: {  	_ =	sfence.sel $0xFFFF  }
0xc0: {  	[dreg:$0x0] =	wrdreg $0xFFFFFFFF;
	(pc) =	sbr.abs _section_cstart, $3  }
0xc1: {  	[dreg:$0x1] =	wrdreg $0xFFFFFFFF  }
0xc2: {  	_ =	task.clear_ibuf [dreg:s7], $0x2FFFF;
	_ =	strace $0x9FFFFFFF  }
0xc3: {  	(tm) =	ssettm $0x7FFFFFFF  }
tec
execute0_lowered:
.L_overlay_start_1:
0x0: {  	(tag) =	ssettag $0x1  }
0x1: {  	s2 =	rddreg [dreg:$0x0]  }
0x2: {  	s6 =	rddreg [dreg:$0x1]  }
0x3: {  	s0 =	srdreg.scid;
	s3 =	rddreg [dreg:$0x2];
	s4 =	simm.s32 $0x0  }
0x4: {  	s14 =	simm.s32 $0x5F80;
	s5 =	sand.u32 $0x1, s0;
	s0 =	stileid.u32  }
0x5: {  	s15 =	simm.s32 $0x8F80;
	s16 =	simm.s32 $0x1;
	s9 =	smul.u32 $0x13C00, s0  }
0x6: {  	s17 =	simm.s32 $0x2;
	s1 =	sshll.u32 s5, $0x4;
	s10 =	smul.u32 $0x13C000, s5  }
0x7: {  	s18 =	simm.s32 $0x0;
	s28 =	smul.u32 $0x4F000, s0;
	s1 =	sor.u32 s0, s1  }
0x8: {  	[smem:$0x7FF] =	sst s4;
	s5 =	ssub.s32 $0x2, s5;
	s7 =	smul.u32 $0x4EC, s1  }
0x9: {  	s31 =	sshll.u32 s0, $0x6;
	s29 =	sshrl.u32 s5, $0x1;
	s8 =	smul.u32 $0x700, s1  }
0xa: {  	s1 =	rddreg [dreg:$0x3];
	_ =	strace $0x80000047;
	s11 =	sshrl.u32 s9, $0x3  }
0xb: {  	s9 =	sadd.s32 s9, s10;
	s12 =	ssub.s32 s5, s29;
	s30 =	sshrl.u32 s28, $0x2  }
0xc: {  	s9 =	sshrl.u32 s9, $0x3;
	s11 =	sadd.s32 s11, s6;
	s13 =	sadd.s32 s30, s3  }
0xd: {  	s10 =	smax.u32 s12, $0x1;
	s12 =	simm.s32 $0x3;
	s7 =	sadd.s32 s7, s6  }
0xe: {  	s8 =	sadd.s32 s8, s6;
	s9 =	sadd.s32 s9, s6;
	s5 =	sadd.s32 $0x1C000, s11  }
0xf: {  	s6 =	sor.u32 $0x1C03, s31;
	s11 =	sshrl.u32 s13, $0x3;
	s13 =	simm.s32 $0x60  }
0x10: {  	s7 =	sadd.s32 $0x12200, s7;
	s8 =	sadd.s32 $0x4200, s8;
	s9 =	sadd.s32 $0x43800, s9  }
.LBB2_1:
0x11: {  	[spmem:s11], [sflag:s6] =	dma.local [hbm:s5], $0x2780  }
0x12: {  	_ =	swait.ge [sflag:s12], $0x2780  }
0x13: {  	[sflag:s12] =	ssyncset.done $0x0  }
0x14: {  	[sflag:s12] =	ssyncadd.s32 $0xFFFFD880  }
0x15: {  	[tilespmem:s4], [sflag:$0x3] =	stream.linear.gather [hbm4b:s7+s4], $0x2760, $0x38;
	[tilespmem:$0x1FB80] =	vst v63  }
0x16: {  	_ =	swait.ge [sflag:s12], $0x2760  }
0x17: {  	[sflag:s12] =	ssyncset.done $0x0  }
0x18: {  	s19 =	simm.s32 $0x2780;
	[sflag:s12] =	ssyncadd.s32 $0xFFFFD8A0  }
0x19: {  	[tilespmem:s19], [sflag:$0x3] =	stream.linear.gather [hbm4b:s8+s4], $0x3480, $0x38;
	[tilespmem:$0x1FB80] =	vst v63  }
0x1a: {  	_ =	swait.ge [sflag:s12], $0x3480  }
0x1b: {  	[sflag:s12] =	ssyncset.done $0x0  }
0x1c: {  	[sflag:s12] =	ssyncadd.s32 $0xFFFFCB80  }
0x1d: {  	[bflag:$0x0] =	sbarrier.arrive $0xFFFF  }
0x1e: {  	[tilespmem:s14], [sflag:$0x1] =	stream.indirect.gather [hbm4b:s2+s13], $0x80, s4, s13, $0xb8;
	[tilespmem:$0x1FB80] =	vst v63  }
0x1f: {  	_ = 	snop  }
0x20: {  	[tilespmem:s15], [sflag:$0x1] =	stream.indirect.gather [hbm4b:s2+s13], $0x80, s13, s13, $0xb8;
	[tilespmem:$0x1FB80] =	vst v63  }
0x21: {  	s20 =	sand.u32 $0x1, s4;
	_ =	swait.ge [sflag:s16], $0x3000  }
0x22: {  	s22 =	simm.s32 $0x8F80;
	p0 =	seq.s32 s20, $0x1;
	[sflag:s16] =	ssyncset.done $0x0  }
0x23: {  	s22 =	simm.s32 @!p0 $0x5F80;
	[sflag:s16] =	ssyncadd.s32 $0xFFFFD000  }
0x24: {  	[spmem:s3] =	stream.indirect.scatter.add.f32 [tilespmem:s22], [sflag:$0x2], $0x80, s19, s13, $0xb8;
	[tilespmem:$0x1FB80] =	vst v63  }
0x25: {  	p1 =	por $0x0, $0x0;
	s21 =	simm.s32 $0x2800;
	_ =	swait.ge [sflag:s17], $0x3000  }
0x26: {  	s23 =	simm.s32 $0x120;
	s20 =	simm.s32 $0x1;
	[sflag:s17] =	ssyncset.done $0x0  }
0x27: {  	s24 =	simm.s32 @!p1 $0x60;
	s19 =	simm.s32 $0xC0;
	[sflag:s17] =	ssyncadd.s32 $0xFFFFD000  }
.LBB2_2:
0x28: {  	[tilespmem:s22], [sflag:$0x1] =	stream.indirect.gather @!p1 [hbm4b:s2+s24], $0x80, s19, s24, $0xb8;
	[tilespmem:$0x1FB80] =	vst v63  }
0x29: {  	s24 =	smov.u32 s20;
	s19 =	smov.u32 s23;
	s20 =	sadd.s32 $0x1, s20  }
0x2a: {  	s22 =	sand.u32 $0x1, s24;
	_ =	swait.ge [sflag:s16], $0x3000;
	p0 =	sne.s32 s20, $0x69  }
0x2b: {  	p1 =	seq.s32 s22, $0x1;
	[sflag:s16] =	ssyncset.done $0x0;
	s22 =	simm.s32 $0x8F80  }
.Ltmp0:
0x2c: {  	s22 =	simm.s32 @!p1 $0x5F80;
	[sflag:s16] =	ssyncadd.s32 $0xFFFFD000;
	(pc) =	sbr.rel @p0 .LBB2_2-.Ltmp0, $4  }
0x2d: {  	[spmem:s3] =	stream.indirect.scatter.add.f32 [tilespmem:s22], [sflag:$0x2], $0x80, s21, s13, $0xb8;
	[tilespmem:$0x1FB80] =	vst v63  }
0x2e: {  	_ =	swait.ge [sflag:s17], $0x3000  }
0x2f: {  	p1 =	sgt.u32 s24, $0x66;
	s21 =	sadd.s32 $0x80, s21;
	[sflag:s17] =	ssyncset.done $0x0  }
0x30: {  	s23 =	sadd.s32 $0x60, s23;
	s24 =	simm.s32 @!p1 $0x60;
	[sflag:s17] =	ssyncadd.s32 $0xFFFFD000  }
0x31: {  	[tilespmem:s22], [sflag:$0x1] =	stream.indirect.gather @!p1 [hbm4b:s2+s24], $0x80, s19, s24, $0xb8;
	[tilespmem:$0x1FB80] =	vst v63  }
0x32: {  	s18 =	sadd.s32 $0x1, s18  }
0x33: {  	p0 =	sne.s32 s18, s10  }
.Ltmp1:
0x34: {  	[bflag:$0x0] =	sbarrier.arrive $0xFFFF;
	(pc) =	sbr.rel @p0 .LBB2_1-.Ltmp1, $4  }
0x35: {  	[hbm:s9], [sflag:s6] =	dma.local [spmem:s11], $0x2780  }
0x36: {  	_ =	swait.ge [sflag:s12], $0x2780  }
0x37: {  	[sflag:s12] =	ssyncset.done $0x0  }
0x38: {  	[sflag:s12] =	ssyncadd.s32 $0xFFFFD880  }
0x39: {  	_ =	sfence.sel $0x180000  }
0x3a: {  	[bflag:$0x0] =	sbarrier.arrive $0xFFFF  }
0x3b: {  	p0 =	sne.s32 s0, $0x0;
	_ =	strace $0x90000047  }
0x3c: {  	s0 =	sadd.s32 @!p0 $0x100000, s1;
	[bflag:$0x2] =	sbarrier.arrive $0xFFFF  }
0x3d: {  	[sflag:s0] =	ssyncadd.tile.s32 @!p0 $0x1;
	_ =	shalt  }
.Lfunc_end2:
_tile_overlayer_lowered:
.L_overlay_start_2:
0x3e: {  	(tag) =	ssettag $0x2  }
0x3f: {  	s0 =	rddreg [dreg:$0x0];
	s2 =	stileid.u32  }
0x40: {  	s1 =	rddreg [dreg:$0x1];
	p0 =	sne.s32 s2, $0x0  }
0x41: {  	s3 =	rddreg [dreg:$0x2];
	[bflag:$0x3] =	sbarrier.arrive $0xFFFF;
	s2 =	simm.s32 @!p0 $0x1C03  }
0x42: {  	[timem:s3], [sflag:s2] =	dma.local @!p0 [hbm:s0], s1  }
0x43: {  	s0 =	simm.s32 @!p0 $0x3  }
0x44: {  	_ =	swait.ge @!p0 [sflag:s0], s1  }
0x45: {  	s1 =	ssub.s32 @!p0 $0x0, s1;
	[sflag:s0] =	ssyncset.done @!p0 $0x0  }
0x46: {  	[sflag:s0] =	ssyncadd.s32 @!p0 s1  }
0x47: {  	[bflag:$0x3] =	sbarrier.arrive $0xFFFF  }
0x48: {  	_ =	shalt  }

// kernel: kernel.13.cloned.1.call-start
scs
__scs_entry_jumppad:
0x0: {  	(pc) =	sbr.rel $0x88, $3  }
0x1: {  	(tag) =	ssettag $0x0;
	lr =	simm.s32 $0x1  }
0x2: {  	[smem:$0x3F8F] =	sst lr;
	_ =	strace $0xD0000000  }
0x3: {  	_ = 	snop  }
0x4: {  	_ = 	snop  }
0x5: {  	_ = 	snop  }
0x6: {  	_ = 	snop  }
0x7: {  	_ = 	snop  }
__scs_overlays_trampoline_lowered:
0x8: {  	[smem:$0x3F9E] =	sst s0  }
0x9: {  	[smem:$0x3F9F] =	sst s1  }
0xa: {  	[smem:$0x3FA0] =	sst s2  }
0xb: {  	[smem:$0x3FA1] =	sst s3  }
0xc: {  	[smem:$0x3FA2] =	sst s4  }
0xd: {  	[smem:$0x3FA3] =	sst s5  }
0xe: {  	[smem:$0x3FA4] =	sst s6  }
0xf: {  	[smem:$0x3FA5] =	sst s7  }
0x10: {  	[smem:$0x3FA6] =	sst s8  }
0x11: {  	[smem:$0x3FA7] =	sst s9;
	s0 =	simm.s32 @!p0 $0x0  }
0x12: {  	s1 =	sld [smem:$0x3F8D];
	s0 =	simm.s32 @p0 $0x1  }
0x13: {  	[smem:$0x3FA8] =	sst s0;
	s0 =	simm.s32 @!p1 $0x0  }
0x14: {  	s2 =	sld [smem:$0x3F8C];
	s0 =	simm.s32 @p1 $0x1  }
0x15: {  	[smem:$0x3FA9] =	sst s0;
	s0 =	simm.s32 @!p2 $0x0  }
0x16: {  	s3 =	sld [smem:$0x3FDB];
	s0 =	simm.s32 @p2 $0x1  }
0x17: {  	s4 =	simm.s32 $0x1BF5;
	[smem:$0x3FAB] =	sst s0  }
0x18: {  	s0 =	sld [smem:$0x3F8E];
	_ =	swait.ge [sflag:s4], $0x0  }
0x19: {  	s7 =	sld [smem:$0x3F8F]  }
0x1a: {  	s8 =	sadd.s32 $0xFFFFE003, lr  }
0x1b: {  	s9 =	sadd.s32 $0xFFFFFEF7, lr;
	s5 =	simm.s32 $0xFFFFFFFF;
	p2 =	slt.u32 s8, $0xFFFFF086  }
0x1c: {  	p1 =	slt.u32 s9, $0xF7A;
	s5 =	simm.s32 @!p2 $0x0  }
0x1d: {  	s5 =	simm.s32 @p1 $0x1;
	p0 =	seq.s32 s7, s2  }
0x1e: {  	s7 =	smul.u32 @!p0 $0xF7A, s2;
	p2 =	seq.s32 @!p0 s5, $0x0  }
0x1f: {  	s9 =	smul.u32 $0xF7A, s1;
	s8 =	simm.s32 @!p0 $0x1BF5;
	p2 =	por !p2, p0  }
0x20: {  	[sflag:s8] =	ssyncset.s32 @!p0 $0xFFFFF086;
	s6 =	sadd.s32 @!p0 s3, s7;
	s7 =	simm.s32 @!p0 $0x108  }
0x21: {  	s3 =	sadd.s32 s3, s9;
	s6 =	sadd.s32 @!p0 $0x88, s6;
	s7 =	simm.s32 @p2 $0x1082  }
0x22: {  	[simem:s7], [sflag:s8] =	dma.local @!p0 [hbm:s6], $0xF7A  }
0x23: {  	s9 =	sor.u32 $0xD0000000, s2;
	s6 =	simm.s32 $0x108;
	_ =	swait.ge @!p0 [sflag:s8], $0x0  }
0x24: {  	s3 =	sadd.s32 $0x88, s3;
	s6 =	simm.s32 @!p1 $0x1082;
	[sflag:s4] =	ssyncset.s32 $0xFFFFF086  }
0x25: {  	[simem:s6], [sflag:s4] =	dma.local [hbm:s3], $0xF7A  }
0x26: {  	[smem:$0x3F8F] =	sst s1;
	(tag) =	ssettag s2;
	_ =	strace s9  }
0x27: {  	s1 =	sld [smem:$0x3F9F]  }
0x28: {  	s2 =	sld [smem:$0x3FA0]  }
0x29: {  	s4 =	sld [smem:$0x3FA2]  }
0x2a: {  	p0 =	seq.s32 s5, $0x0;
	s5 =	sld [smem:$0x3FA3]  }
0x2b: {  	s6 =	sld [smem:$0x3FA4]  }
0x2c: {  	s7 =	sld [smem:$0x3FA5]  }
0x2d: {  	s3 =	simm.s32 $0x108;
	s8 =	sld [smem:$0x3FA6]  }
0x2e: {  	s3 =	simm.s32 @!p0 $0x1082;
	s9 =	sld [smem:$0x3FA7]  }
0x2f: {  	lr =	sadd.s32 s0, s3;
	s0 =	sld [smem:$0x3F9E]  }
0x30: {  	s3 =	sld [smem:$0x3FA1]  }
0x31: {  	[smem:$0x3FAA] =	sst s10  }
0x32: {  	s10 =	sld [smem:$0x3FA8];
	_ =	sdelay $0x3  }
0x33: {  	p0 =	seq.s32 s10, $0x1;
	s10 =	sld [smem:$0x3FAA];
	_ =	sdelay $0x3  }
0x34: {  	[smem:$0x3FAA] =	sst s10  }
0x35: {  	s10 =	sld [smem:$0x3FA9];
	_ =	sdelay $0x3  }
0x36: {  	p1 =	seq.s32 s10, $0x1;
	s10 =	sld [smem:$0x3FAA];
	_ =	sdelay $0x3  }
0x37: {  	[smem:$0x3FAA] =	sst s10  }
0x38: {  	s10 =	sld [smem:$0x3FAB]  }
0x39: {  	_ = 	snop;
	(pc) =	sbr.ind lr, $3  }
0x3a: {  	_ = 	snop  }
0x3b: {  	_ = 	snop  }
0x3c: {  	p2 =	seq.s32 s10, $0x1;
	s10 =	sld [smem:$0x3FAA]  }
0x3d: {  	_ =	shalt  }
0x3e: {  	_ =	shalt  }
0x3f: {  	_ =	shalt  }
0x40: {  	_ =	shalt  }
0x41: {  	_ =	shalt  }
0x42: {  	_ =	shalt  }
0x43: {  	_ =	shalt  }
0x44: {  	_ =	shalt  }
0x45: {  	_ =	shalt  }
0x46: {  	_ =	shalt  }
0x47: {  	_ =	shalt  }
0x48: {  	_ =	shalt  }
0x49: {  	_ =	shalt  }
0x4a: {  	_ =	shalt  }
0x4b: {  	_ =	shalt  }
0x4c: {  	_ =	shalt  }
0x4d: {  	_ =	shalt  }
0x4e: {  	_ =	shalt  }
0x4f: {  	_ =	shalt  }
0x50: {  	_ =	shalt  }
0x51: {  	_ =	shalt  }
0x52: {  	_ =	shalt  }
0x53: {  	_ =	shalt  }
0x54: {  	_ =	shalt  }
0x55: {  	_ =	shalt  }
0x56: {  	_ =	shalt  }
0x57: {  	_ =	shalt  }
0x58: {  	_ =	shalt  }
0x59: {  	_ =	shalt  }
0x5a: {  	_ =	shalt  }
0x5b: {  	_ =	shalt  }
0x5c: {  	_ =	shalt  }
0x5d: {  	_ =	shalt  }
0x5e: {  	_ =	shalt  }
0x5f: {  	_ =	shalt  }
0x60: {  	_ =	shalt  }
0x61: {  	_ =	shalt  }
0x62: {  	_ =	shalt  }
0x63: {  	_ =	shalt  }
0x64: {  	_ =	shalt  }
0x65: {  	_ =	shalt  }
0x66: {  	_ =	shalt  }
0x67: {  	_ =	shalt  }
0x68: {  	_ =	shalt  }
0x69: {  	_ =	shalt  }
0x6a: {  	_ =	shalt  }
0x6b: {  	_ =	shalt  }
0x6c: {  	_ =	shalt  }
0x6d: {  	_ =	shalt  }
0x6e: {  	_ =	shalt  }
0x6f: {  	_ =	shalt  }
0x70: {  	_ =	shalt  }
0x71: {  	_ =	shalt  }
0x72: {  	_ =	shalt  }
0x73: {  	_ =	shalt  }
0x74: {  	_ =	shalt  }
0x75: {  	_ =	shalt  }
0x76: {  	_ =	shalt  }
0x77: {  	_ =	shalt  }
0x78: {  	_ =	shalt  }
0x79: {  	_ =	shalt  }
0x7a: {  	_ =	shalt  }
0x7b: {  	_ =	shalt  }
0x7c: {  	_ =	shalt  }
0x7d: {  	_ =	shalt  }
0x7e: {  	_ =	shalt  }
0x7f: {  	_ =	shalt  }
0x80: {  	_ =	shalt  }
0x81: {  	_ =	shalt  }
0x82: {  	_ =	shalt  }
0x83: {  	_ =	shalt  }
0x84: {  	_ =	shalt  }
0x85: {  	_ =	shalt  }
0x86: {  	_ =	shalt  }
0x87: {  	_ =	shalt  }
.Lfunc_end0:
.L_simem_size_0:
called_computation.1_lowered:
.L_overlay_start_0:
0x88: {  	s2 =	sld [smem:$0x3FD9]  }
0x89: {  	s3 =	sld [smem:$0x3FFE];
	_ =	sdelay $0x1  }
0x8a: {  	s1 =	srdreg.scid  }
0x8b: {  	s0 =	sand.u32 $0x1, s1  }
0x8c: {  	s17 =	sshll.u32 s0, $0xA;
	s2 =	sadd.s32 s3, s2  }
0x8d: {  	s2 =	sadd.s32 s2, s17  }
0x8e: {  	[smem:$0x3FB6] =	sst s2  }
0x8f: {  	_ = 	snop  }
0x90: {  	s2 =	sld [smem:$0x3FD0];
	(tm) =	ssettm $0x1  }
0x91: {  	s18 =	sld [smem:$0x3FFB];
	_ =	sdelay $0x3  }
0x92: {  	_ =	strace s18  }
0x93: {  	s3 =	sld [smem:$0x3FFC];
	_ =	sdelay $0x3  }
0x94: {  	_ =	strace s3  }
0x95: {  	s3 =	sld [smem:$0x3FFD];
	_ =	sdelay $0x3  }
0x96: {  	_ =	strace s3  }
0x97: {  	_ =	strace $0x8FFFFFFF  }
0x98: {  	s19 =	sld [smem:$0x3FDB];
	_ =	sdelay $0x1  }
0x99: {  	s4 =	simm.s32 $_scs_section_size  }
0x9a: {  	s5 =	simm.s32 $_size__tile_overlayer_lowered;
	s6 =	simm.s32 $_tile_overlayer_lowered  }
0x9b: {  	s22 =	simm.s32 $0x1BFF;
	s21 =	sshll.u32 s6, $0x1;
	s3 =	sadd.s32 s4, s19  }
0x9c: {  	s7 =	simm.s32 $0x0;
	s20 =	sshll.u32 s5, $0x1;
	s5 =	sadd.s32 s21, s3  }
0x9d: {  	[timem:s7], [sflag:s22] =	dma.local [hbm:s5], s20  }
0x9e: {  	_ =	swait.ge [sflag:s22], s20  }
0x9f: {  	s4 =	ssub.s32 $0x0, s20;
	[sflag:s22] =	ssyncset.done $0x0  }
0xa0: {  	[sflag:s22] =	ssyncadd.s32 s4;
	_ =	sdelay $0x1  }
0xa1: {  	s23 =	simm.s32 $0x1B8B  }
0xa2: {  	_ =	swait.ge [sflag:s23], $0x1  }
0xa3: {  	[sflag:s23] =	ssyncset.done $0x0  }
0xa4: {  	s25 =	simm.s32 $0x1B8E;
	s24 =	sld [smem:$0x3FFE];
	[sflag:s23] =	ssyncadd.s32 $0xFFFFFFFF  }
0xa5: {  	s26 =	simm.s32 $execute0_lowered;
	[smem:$0x3FD2] =	sst s25  }
0xa6: {  	s5 =	sshll.u32 s26, $0x1;
	_ =	strace $0x80000049;
	[dreg:$0x1] =	wrdreg $0xFFFFFFFF  }
0xa7: {  	s28 =	simm.s32 $_size_execute0_lowered;
	s3 =	sadd.s32 s3, s5;
	[dreg:$0x0] =	wrdreg $0x0  }
0xa8: {  	s5 =	sshll.u32 s28, $0x1;
	[dreg:$0x2] =	wrdreg s3  }
0xa9: {  	[dreg:$0x3] =	wrdreg s5  }
0xaa: {  	[dreg:$0x4] =	wrdreg $0xC0  }
0xab: {  	_ =	task [dreg:s7], $0x5FFFF  }
0xac: {  	[dreg:$0x1] =	wrdreg $0xFFFFFFFF  }
0xad: {  	[dreg:$0x0] =	wrdreg $0x60  }
0xae: {  	[dreg:$0x2] =	wrdreg s2  }
0xaf: {  	[dreg:$0x3] =	wrdreg s24  }
0xb0: {  	[dreg:$0x4] =	wrdreg $0xBF800  }
0xb1: {  	[dreg:$0x5] =	wrdreg $0x9  }
0xb2: {  	_ =	task.clear_ibuf [dreg:s7], $0x6FFFF;
	_ =	strace $0x90000049  }
0xb3: {  	s29 =	simm.s32 $0x9;
	_ =	strace $0x8000004B  }
0xb4: {  	_ =	swait.ge [sflag:s29], $0x1  }
0xb5: {  	[sflag:s29] =	ssyncadd.s32 $0xFFFFFFFF  }
0xb6: {  	_ =	strace $0x9000004B  }
0xb7: {  	_ =	sfence  }
0xb8: {  	s30 =	sld [smem:$0x0];
	_ =	sdelay $0x2  }
0xb9: {  	s31 =	sshll.u32 s1, $0xD;
	s1 =	sshrl.u32 s1, $0x2  }
0xba: {  	s3 =	sand.u32 $0x4000, s31;
	s1 =	sadd.s32 s1, s30  }
0xbb: {  	s0 =	sor.u32 s3, s0;
	s1 =	sshll.u32 s1, $0x11  }
0xbc: {  	s0 =	sor.u32 s1, s0  }
0xbd: {  	s0 =	sadd.s32 $0x8F2B, s0  }
0xbe: {  	[sflag:s0] =	ssyncadd.remote.s32 $0x1  }
0xbf: {  	_ =	sfence.sel $0xFFFF  }
0xc0: {  	[dreg:$0x0] =	wrdreg $0xFFFFFFFF;
	(pc) =	sbr.abs _section_cstart, $3  }
0xc1: {  	[dreg:$0x1] =	wrdreg $0xFFFFFFFF  }
0xc2: {  	_ =	task.clear_ibuf [dreg:s7], $0x2FFFF;
	_ =	strace $0x9FFFFFFF  }
0xc3: {  	(tm) =	ssettm $0x7FFFFFFF  }
tec
execute0_lowered:
.L_overlay_start_1:
0x0: {  	(tag) =	ssettag $0x1  }
0x1: {  	s2 =	rddreg [dreg:$0x0]  }
0x2: {  	s6 =	rddreg [dreg:$0x1]  }
0x3: {  	s0 =	srdreg.scid;
	s3 =	rddreg [dreg:$0x2];
	s4 =	simm.s32 $0x0  }
0x4: {  	s14 =	simm.s32 $0x5F80;
	s5 =	sand.u32 $0x1, s0;
	s0 =	stileid.u32  }
0x5: {  	s15 =	simm.s32 $0x8F80;
	s16 =	simm.s32 $0x1;
	s9 =	smul.u32 $0x13C00, s0  }
0x6: {  	s17 =	simm.s32 $0x2;
	s1 =	sshll.u32 s5, $0x4;
	s10 =	smul.u32 $0x13C000, s5  }
0x7: {  	s18 =	simm.s32 $0x0;
	s28 =	smul.u32 $0x4F000, s0;
	s1 =	sor.u32 s0, s1  }
0x8: {  	[smem:$0x7FF] =	sst s4;
	s5 =	ssub.s32 $0x2, s5;
	s7 =	smul.u32 $0x4EC, s1  }
0x9: {  	s31 =	sshll.u32 s0, $0x6;
	s29 =	sshrl.u32 s5, $0x1;
	s8 =	smul.u32 $0x700, s1  }
0xa: {  	s1 =	rddreg [dreg:$0x3];
	_ =	strace $0x8000004A;
	s11 =	sshrl.u32 s9, $0x3  }
0xb: {  	s9 =	sadd.s32 s9, s10;
	s12 =	ssub.s32 s5, s29;
	s30 =	sshrl.u32 s28, $0x2  }
0xc: {  	s9 =	sshrl.u32 s9, $0x3;
	s11 =	sadd.s32 s11, s6;
	s13 =	sadd.s32 s30, s3  }
0xd: {  	s10 =	smax.u32 s12, $0x1;
	s12 =	simm.s32 $0x3;
	s7 =	sadd.s32 s7, s6  }
0xe: {  	s8 =	sadd.s32 s8, s6;
	s9 =	sadd.s32 s9, s6;
	s5 =	sadd.s32 $0x1C000, s11  }
0xf: {  	s6 =	sor.u32 $0x1C03, s31;
	s11 =	sshrl.u32 s13, $0x3;
	s13 =	simm.s32 $0x60  }
0x10: {  	s7 =	sadd.s32 $0x12200, s7;
	s8 =	sadd.s32 $0x4200, s8;
	s9 =	sadd.s32 $0x43800, s9  }
.LBB2_1:
0x11: {  	[spmem:s11], [sflag:s6] =	dma.local [hbm:s5], $0x2780  }
0x12: {  	_ =	swait.ge [sflag:s12], $0x2780  }
0x13: {  	[sflag:s12] =	ssyncset.done $0x0  }
0x14: {  	[sflag:s12] =	ssyncadd.s32 $0xFFFFD880  }
0x15: {  	[tilespmem:s4], [sflag:$0x3] =	stream.linear.gather [hbm4b:s7+s4], $0x2760, $0x38;
	[tilespmem:$0x1FB80] =	vst v63  }
0x16: {  	_ =	swait.ge [sflag:s12], $0x2760  }
0x17: {  	[sflag:s12] =	ssyncset.done $0x0  }
0x18: {  	s19 =	simm.s32 $0x2780;
	[sflag:s12] =	ssyncadd.s32 $0xFFFFD8A0  }
0x19: {  	[tilespmem:s19], [sflag:$0x3] =	stream.linear.gather [hbm4b:s8+s4], $0x3480, $0x38;
	[tilespmem:$0x1FB80] =	vst v63  }
0x1a: {  	_ =	swait.ge [sflag:s12], $0x3480  }
0x1b: {  	[sflag:s12] =	ssyncset.done $0x0  }
0x1c: {  	[sflag:s12] =	ssyncadd.s32 $0xFFFFCB80  }
0x1d: {  	[bflag:$0x0] =	sbarrier.arrive $0xFFFF  }
0x1e: {  	[tilespmem:s14], [sflag:$0x1] =	stream.indirect.gather [hbm4b:s2+s13], $0x80, s4, s13, $0xb8;
	[tilespmem:$0x1FB80] =	vst v63  }
0x1f: {  	_ = 	snop  }
0x20: {  	[tilespmem:s15], [sflag:$0x1] =	stream.indirect.gather [hbm4b:s2+s13], $0x80, s13, s13, $0xb8;
	[tilespmem:$0x1FB80] =	vst v63  }
0x21: {  	s20 =	sand.u32 $0x1, s4;
	_ =	swait.ge [sflag:s16], $0x3000  }
0x22: {  	s22 =	simm.s32 $0x8F80;
	p0 =	seq.s32 s20, $0x1;
	[sflag:s16] =	ssyncset.done $0x0  }
0x23: {  	s22 =	simm.s32 @!p0 $0x5F80;
	[sflag:s16] =	ssyncadd.s32 $0xFFFFD000  }
0x24: {  	[spmem:s3] =	stream.indirect.scatter.add.f32 [tilespmem:s22], [sflag:$0x2], $0x80, s19, s13, $0xb8;
	[tilespmem:$0x1FB80] =	vst v63  }
0x25: {  	p1 =	por $0x0, $0x0;
	s21 =	simm.s32 $0x2800;
	_ =	swait.ge [sflag:s17], $0x3000  }
0x26: {  	s23 =	simm.s32 $0x120;
	s20 =	simm.s32 $0x1;
	[sflag:s17] =	ssyncset.done $0x0  }
0x27: {  	s24 =	simm.s32 @!p1 $0x60;
	s19 =	simm.s32 $0xC0;
	[sflag:s17] =	ssyncadd.s32 $0xFFFFD000  }
.LBB2_2:
0x28: {  	[tilespmem:s22], [sflag:$0x1] =	stream.indirect.gather @!p1 [hbm4b:s2+s24], $0x80, s19, s24, $0xb8;
	[tilespmem:$0x1FB80] =	vst v63  }
0x29: {  	s24 =	smov.u32 s20;
	s19 =	smov.u32 s23;
	s20 =	sadd.s32 $0x1, s20  }
0x2a: {  	s22 =	sand.u32 $0x1, s24;
	_ =	swait.ge [sflag:s16], $0x3000;
	p0 =	sne.s32 s20, $0x69  }
0x2b: {  	p1 =	seq.s32 s22, $0x1;
	[sflag:s16] =	ssyncset.done $0x0;
	s22 =	simm.s32 $0x8F80  }
.Ltmp0:
0x2c: {  	s22 =	simm.s32 @!p1 $0x5F80;
	[sflag:s16] =	ssyncadd.s32 $0xFFFFD000;
	(pc) =	sbr.rel @p0 .LBB2_2-.Ltmp0, $4  }
0x2d: {  	[spmem:s3] =	stream.indirect.scatter.add.f32 [tilespmem:s22], [sflag:$0x2], $0x80, s21, s13, $0xb8;
	[tilespmem:$0x1FB80] =	vst v63  }
0x2e: {  	_ =	swait.ge [sflag:s17], $0x3000  }
0x2f: {  	p1 =	sgt.u32 s24, $0x66;
	s21 =	sadd.s32 $0x80, s21;
	[sflag:s17] =	ssyncset.done $0x0  }
0x30: {  	s23 =	sadd.s32 $0x60, s23;
	s24 =	simm.s32 @!p1 $0x60;
	[sflag:s17] =	ssyncadd.s32 $0xFFFFD000  }
0x31: {  	[tilespmem:s22], [sflag:$0x1] =	stream.indirect.gather @!p1 [hbm4b:s2+s24], $0x80, s19, s24, $0xb8;
	[tilespmem:$0x1FB80] =	vst v63  }
0x32: {  	s18 =	sadd.s32 $0x1, s18  }
0x33: {  	p0 =	sne.s32 s18, s10  }
.Ltmp1:
0x34: {  	[bflag:$0x0] =	sbarrier.arrive $0xFFFF;
	(pc) =	sbr.rel @p0 .LBB2_1-.Ltmp1, $4  }
0x35: {  	[hbm:s9], [sflag:s6] =	dma.local [spmem:s11], $0x2780  }
0x36: {  	_ =	swait.ge [sflag:s12], $0x2780  }
0x37: {  	[sflag:s12] =	ssyncset.done $0x0  }
0x38: {  	[sflag:s12] =	ssyncadd.s32 $0xFFFFD880  }
0x39: {  	_ =	sfence.sel $0x180000  }
0x3a: {  	[bflag:$0x0] =	sbarrier.arrive $0xFFFF  }
0x3b: {  	p0 =	sne.s32 s0, $0x0;
	_ =	strace $0x9000004A  }
0x3c: {  	s0 =	sadd.s32 @!p0 $0x100000, s1;
	[bflag:$0x2] =	sbarrier.arrive $0xFFFF  }
0x3d: {  	[sflag:s0] =	ssyncadd.tile.s32 @!p0 $0x1;
	_ =	shalt  }
.Lfunc_end2:
_tile_overlayer_lowered:
.L_overlay_start_2:
0x3e: {  	(tag) =	ssettag $0x2  }
0x3f: {  	s0 =	rddreg [dreg:$0x0];
	s2 =	stileid.u32  }
0x40: {  	s1 =	rddreg [dreg:$0x1];
	p0 =	sne.s32 s2, $0x0  }
0x41: {  	s3 =	rddreg [dreg:$0x2];
	[bflag:$0x3] =	sbarrier.arrive $0xFFFF;
	s2 =	simm.s32 @!p0 $0x1C03  }
0x42: {  	[timem:s3], [sflag:s2] =	dma.local @!p0 [hbm:s0], s1  }
0x43: {  	s0 =	simm.s32 @!p0 $0x3  }
0x44: {  	_ =	swait.ge @!p0 [sflag:s0], s1  }
0x45: {  	s1 =	ssub.s32 @!p0 $0x0, s1;
	[sflag:s0] =	ssyncset.done @!p0 $0x0  }
0x46: {  	[sflag:s0] =	ssyncadd.s32 @!p0 s1  }
0x47: {  	[bflag:$0x3] =	sbarrier.arrive $0xFFFF  }
0x48: {  	_ =	shalt  }

// kernel: kernel.16.cloned.1.call-start
scs
__scs_entry_jumppad:
0x0: {  	(pc) =	sbr.rel $0x88, $3  }
0x1: {  	(tag) =	ssettag $0x0;
	lr =	simm.s32 $0x1  }
0x2: {  	[smem:$0x3F8F] =	sst lr;
	_ =	strace $0xD0000000  }
0x3: {  	_ = 	snop  }
0x4: {  	_ = 	snop  }
0x5: {  	_ = 	snop  }
0x6: {  	_ = 	snop  }
0x7: {  	_ = 	snop  }
__scs_overlays_trampoline_lowered:
0x8: {  	[smem:$0x3F9E] =	sst s0  }
0x9: {  	[smem:$0x3F9F] =	sst s1  }
0xa: {  	[smem:$0x3FA0] =	sst s2  }
0xb: {  	[smem:$0x3FA1] =	sst s3  }
0xc: {  	[smem:$0x3FA2] =	sst s4  }
0xd: {  	[smem:$0x3FA3] =	sst s5  }
0xe: {  	[smem:$0x3FA4] =	sst s6  }
0xf: {  	[smem:$0x3FA5] =	sst s7  }
0x10: {  	[smem:$0x3FA6] =	sst s8  }
0x11: {  	[smem:$0x3FA7] =	sst s9;
	s0 =	simm.s32 @!p0 $0x0  }
0x12: {  	s1 =	sld [smem:$0x3F8D];
	s0 =	simm.s32 @p0 $0x1  }
0x13: {  	[smem:$0x3FA8] =	sst s0;
	s0 =	simm.s32 @!p1 $0x0  }
0x14: {  	s2 =	sld [smem:$0x3F8C];
	s0 =	simm.s32 @p1 $0x1  }
0x15: {  	[smem:$0x3FA9] =	sst s0;
	s0 =	simm.s32 @!p2 $0x0  }
0x16: {  	s3 =	sld [smem:$0x3FDB];
	s0 =	simm.s32 @p2 $0x1  }
0x17: {  	s4 =	simm.s32 $0x1BF5;
	[smem:$0x3FAB] =	sst s0  }
0x18: {  	s0 =	sld [smem:$0x3F8E];
	_ =	swait.ge [sflag:s4], $0x0  }
0x19: {  	s7 =	sld [smem:$0x3F8F]  }
0x1a: {  	s8 =	sadd.s32 $0xFFFFE003, lr  }
0x1b: {  	s9 =	sadd.s32 $0xFFFFFEF7, lr;
	s5 =	simm.s32 $0xFFFFFFFF;
	p2 =	slt.u32 s8, $0xFFFFF086  }
0x1c: {  	p1 =	slt.u32 s9, $0xF7A;
	s5 =	simm.s32 @!p2 $0x0  }
0x1d: {  	s5 =	simm.s32 @p1 $0x1;
	p0 =	seq.s32 s7, s2  }
0x1e: {  	s7 =	smul.u32 @!p0 $0xF7A, s2;
	p2 =	seq.s32 @!p0 s5, $0x0  }
0x1f: {  	s9 =	smul.u32 $0xF7A, s1;
	s8 =	simm.s32 @!p0 $0x1BF5;
	p2 =	por !p2, p0  }
0x20: {  	[sflag:s8] =	ssyncset.s32 @!p0 $0xFFFFF086;
	s6 =	sadd.s32 @!p0 s3, s7;
	s7 =	simm.s32 @!p0 $0x108  }
0x21: {  	s3 =	sadd.s32 s3, s9;
	s6 =	sadd.s32 @!p0 $0x88, s6;
	s7 =	simm.s32 @p2 $0x1082  }
0x22: {  	[simem:s7], [sflag:s8] =	dma.local @!p0 [hbm:s6], $0xF7A  }
0x23: {  	s9 =	sor.u32 $0xD0000000, s2;
	s6 =	simm.s32 $0x108;
	_ =	swait.ge @!p0 [sflag:s8], $0x0  }
0x24: {  	s3 =	sadd.s32 $0x88, s3;
	s6 =	simm.s32 @!p1 $0x1082;
	[sflag:s4] =	ssyncset.s32 $0xFFFFF086  }
0x25: {  	[simem:s6], [sflag:s4] =	dma.local [hbm:s3], $0xF7A  }
0x26: {  	[smem:$0x3F8F] =	sst s1;
	(tag) =	ssettag s2;
	_ =	strace s9  }
0x27: {  	s1 =	sld [smem:$0x3F9F]  }
0x28: {  	s2 =	sld [smem:$0x3FA0]  }
0x29: {  	s4 =	sld [smem:$0x3FA2]  }
0x2a: {  	p0 =	seq.s32 s5, $0x0;
	s5 =	sld [smem:$0x3FA3]  }
0x2b: {  	s6 =	sld [smem:$0x3FA4]  }
0x2c: {  	s7 =	sld [smem:$0x3FA5]  }
0x2d: {  	s3 =	simm.s32 $0x108;
	s8 =	sld [smem:$0x3FA6]  }
0x2e: {  	s3 =	simm.s32 @!p0 $0x1082;
	s9 =	sld [smem:$0x3FA7]  }
0x2f: {  	lr =	sadd.s32 s0, s3;
	s0 =	sld [smem:$0x3F9E]  }
0x30: {  	s3 =	sld [smem:$0x3FA1]  }
0x31: {  	[smem:$0x3FAA] =	sst s10  }
0x32: {  	s10 =	sld [smem:$0x3FA8];
	_ =	sdelay $0x3  }
0x33: {  	p0 =	seq.s32 s10, $0x1;
	s10 =	sld [smem:$0x3FAA];
	_ =	sdelay $0x3  }
0x34: {  	[smem:$0x3FAA] =	sst s10  }
0x35: {  	s10 =	sld [smem:$0x3FA9];
	_ =	sdelay $0x3  }
0x36: {  	p1 =	seq.s32 s10, $0x1;
	s10 =	sld [smem:$0x3FAA];
	_ =	sdelay $0x3  }
0x37: {  	[smem:$0x3FAA] =	sst s10  }
0x38: {  	s10 =	sld [smem:$0x3FAB]  }
0x39: {  	_ = 	snop;
	(pc) =	sbr.ind lr, $3  }
0x3a: {  	_ = 	snop  }
0x3b: {  	_ = 	snop  }
0x3c: {  	p2 =	seq.s32 s10, $0x1;
	s10 =	sld [smem:$0x3FAA]  }
0x3d: {  	_ =	shalt  }
0x3e: {  	_ =	shalt  }
0x3f: {  	_ =	shalt  }
0x40: {  	_ =	shalt  }
0x41: {  	_ =	shalt  }
0x42: {  	_ =	shalt  }
0x43: {  	_ =	shalt  }
0x44: {  	_ =	shalt  }
0x45: {  	_ =	shalt  }
0x46: {  	_ =	shalt  }
0x47: {  	_ =	shalt  }
0x48: {  	_ =	shalt  }
0x49: {  	_ =	shalt  }
0x4a: {  	_ =	shalt  }
0x4b: {  	_ =	shalt  }
0x4c: {  	_ =	shalt  }
0x4d: {  	_ =	shalt  }
0x4e: {  	_ =	shalt  }
0x4f: {  	_ =	shalt  }
0x50: {  	_ =	shalt  }
0x51: {  	_ =	shalt  }
0x52: {  	_ =	shalt  }
0x53: {  	_ =	shalt  }
0x54: {  	_ =	shalt  }
0x55: {  	_ =	shalt  }
0x56: {  	_ =	shalt  }
0x57: {  	_ =	shalt  }
0x58: {  	_ =	shalt  }
0x59: {  	_ =	shalt  }
0x5a: {  	_ =	shalt  }
0x5b: {  	_ =	shalt  }
0x5c: {  	_ =	shalt  }
0x5d: {  	_ =	shalt  }
0x5e: {  	_ =	shalt  }
0x5f: {  	_ =	shalt  }
0x60: {  	_ =	shalt  }
0x61: {  	_ =	shalt  }
0x62: {  	_ =	shalt  }
0x63: {  	_ =	shalt  }
0x64: {  	_ =	shalt  }
0x65: {  	_ =	shalt  }
0x66: {  	_ =	shalt  }
0x67: {  	_ =	shalt  }
0x68: {  	_ =	shalt  }
0x69: {  	_ =	shalt  }
0x6a: {  	_ =	shalt  }
0x6b: {  	_ =	shalt  }
0x6c: {  	_ =	shalt  }
0x6d: {  	_ =	shalt  }
0x6e: {  	_ =	shalt  }
0x6f: {  	_ =	shalt  }
0x70: {  	_ =	shalt  }
0x71: {  	_ =	shalt  }
0x72: {  	_ =	shalt  }
0x73: {  	_ =	shalt  }
0x74: {  	_ =	shalt  }
0x75: {  	_ =	shalt  }
0x76: {  	_ =	shalt  }
0x77: {  	_ =	shalt  }
0x78: {  	_ =	shalt  }
0x79: {  	_ =	shalt  }
0x7a: {  	_ =	shalt  }
0x7b: {  	_ =	shalt  }
0x7c: {  	_ =	shalt  }
0x7d: {  	_ =	shalt  }
0x7e: {  	_ =	shalt  }
0x7f: {  	_ =	shalt  }
0x80: {  	_ =	shalt  }
0x81: {  	_ =	shalt  }
0x82: {  	_ =	shalt  }
0x83: {  	_ =	shalt  }
0x84: {  	_ =	shalt  }
0x85: {  	_ =	shalt  }
0x86: {  	_ =	shalt  }
0x87: {  	_ =	shalt  }
.Lfunc_end0:
.L_simem_size_0:
called_computation.2_lowered:
.L_overlay_start_0:
0x88: {  	s2 =	sld [smem:$0x3FD9]  }
0x89: {  	s3 =	sld [smem:$0x3FFE];
	_ =	sdelay $0x1  }
0x8a: {  	s1 =	srdreg.scid  }
0x8b: {  	s0 =	sand.u32 $0x1, s1  }
0x8c: {  	s17 =	sshll.u32 s0, $0xA;
	s2 =	sadd.s32 s3, s2  }
0x8d: {  	s2 =	sadd.s32 s2, s17  }
0x8e: {  	[smem:$0x3FB6] =	sst s2  }
0x8f: {  	_ = 	snop  }
0x90: {  	s2 =	sld [smem:$0x3FD0];
	(tm) =	ssettm $0x1  }
0x91: {  	s18 =	sld [smem:$0x3FFB];
	_ =	sdelay $0x3  }
0x92: {  	_ =	strace s18  }
0x93: {  	s3 =	sld [smem:$0x3FFC];
	_ =	sdelay $0x3  }
0x94: {  	_ =	strace s3  }
0x95: {  	s3 =	sld [smem:$0x3FFD];
	_ =	sdelay $0x3  }
0x96: {  	_ =	strace s3  }
0x97: {  	_ =	strace $0x8FFFFFFF  }
0x98: {  	s19 =	sld [smem:$0x3FDB];
	_ =	sdelay $0x1  }
0x99: {  	s4 =	simm.s32 $_scs_section_size  }
0x9a: {  	s5 =	simm.s32 $_size__tile_overlayer_lowered;
	s6 =	simm.s32 $_tile_overlayer_lowered  }
0x9b: {  	s22 =	simm.s32 $0x1BFF;
	s21 =	sshll.u32 s6, $0x1;
	s3 =	sadd.s32 s4, s19  }
0x9c: {  	s7 =	simm.s32 $0x0;
	s20 =	sshll.u32 s5, $0x1;
	s5 =	sadd.s32 s21, s3  }
0x9d: {  	[timem:s7], [sflag:s22] =	dma.local [hbm:s5], s20  }
0x9e: {  	_ =	swait.ge [sflag:s22], s20  }
0x9f: {  	s4 =	ssub.s32 $0x0, s20;
	[sflag:s22] =	ssyncset.done $0x0  }
0xa0: {  	[sflag:s22] =	ssyncadd.s32 s4;
	_ =	sdelay $0x1  }
0xa1: {  	s23 =	simm.s32 $0x1B8B  }
0xa2: {  	_ =	swait.ge [sflag:s23], $0x1  }
0xa3: {  	[sflag:s23] =	ssyncset.done $0x0  }
0xa4: {  	s25 =	simm.s32 $0x1B8E;
	s24 =	sld [smem:$0x3FFE];
	[sflag:s23] =	ssyncadd.s32 $0xFFFFFFFF  }
0xa5: {  	s26 =	simm.s32 $execute0_lowered;
	[smem:$0x3FD2] =	sst s25  }
0xa6: {  	s5 =	sshll.u32 s26, $0x1;
	_ =	strace $0x8000004C;
	[dreg:$0x1] =	wrdreg $0xFFFFFFFF  }
0xa7: {  	s28 =	simm.s32 $_size_execute0_lowered;
	s3 =	sadd.s32 s3, s5;
	[dreg:$0x0] =	wrdreg $0x0  }
0xa8: {  	s5 =	sshll.u32 s28, $0x1;
	[dreg:$0x2] =	wrdreg s3  }
0xa9: {  	[dreg:$0x3] =	wrdreg s5  }
0xaa: {  	[dreg:$0x4] =	wrdreg $0xC0  }
0xab: {  	_ =	task [dreg:s7], $0x5FFFF  }
0xac: {  	[dreg:$0x1] =	wrdreg $0xFFFFFFFF  }
0xad: {  	[dreg:$0x0] =	wrdreg $0x60  }
0xae: {  	[dreg:$0x2] =	wrdreg s2  }
0xaf: {  	[dreg:$0x3] =	wrdreg s24  }
0xb0: {  	[dreg:$0x4] =	wrdreg $0xBF800  }
0xb1: {  	[dreg:$0x5] =	wrdreg $0x9  }
0xb2: {  	_ =	task.clear_ibuf [dreg:s7], $0x6FFFF;
	_ =	strace $0x9000004C  }
0xb3: {  	s29 =	simm.s32 $0x9;
	_ =	strace $0x8000004E  }
0xb4: {  	_ =	swait.ge [sflag:s29], $0x1  }
0xb5: {  	[sflag:s29] =	ssyncadd.s32 $0xFFFFFFFF  }
0xb6: {  	_ =	strace $0x9000004E  }
0xb7: {  	_ =	sfence  }
0xb8: {  	s30 =	sld [smem:$0x0];
	_ =	sdelay $0x2  }
0xb9: {  	s31 =	sshll.u32 s1, $0xD;
	s1 =	sshrl.u32 s1, $0x2  }
0xba: {  	s3 =	sand.u32 $0x4000, s31;
	s1 =	sadd.s32 s1, s30  }
0xbb: {  	s0 =	sor.u32 s3, s0;
	s1 =	sshll.u32 s1, $0x11  }
0xbc: {  	s0 =	sor.u32 s1, s0  }
0xbd: {  	s0 =	sadd.s32 $0x8F2B, s0  }
0xbe: {  	[sflag:s0] =	ssyncadd.remote.s32 $0x1  }
0xbf: {  	_ =	sfence.sel $0xFFFF  }
0xc0: {  	[dreg:$0x0] =	wrdreg $0xFFFFFFFF;
	(pc) =	sbr.abs _section_cstart, $3  }
0xc1: {  	[dreg:$0x1] =	wrdreg $0xFFFFFFFF  }
0xc2: {  	_ =	task.clear_ibuf [dreg:s7], $0x2FFFF;
	_ =	strace $0x9FFFFFFF  }
0xc3: {  	(tm) =	ssettm $0x7FFFFFFF  }
tec
execute0_lowered:
.L_overlay_start_1:
0x0: {  	(tag) =	ssettag $0x1  }
0x1: {  	s2 =	rddreg [dreg:$0x0]  }
0x2: {  	s6 =	rddreg [dreg:$0x1]  }
0x3: {  	s0 =	srdreg.scid;
	s3 =	rddreg [dreg:$0x2];
	s4 =	simm.s32 $0x0  }
0x4: {  	s14 =	simm.s32 $0x5F80;
	s5 =	sand.u32 $0x1, s0;
	s0 =	stileid.u32  }
0x5: {  	s15 =	simm.s32 $0x8F80;
	s16 =	simm.s32 $0x1;
	s9 =	smul.u32 $0x13C00, s0  }
0x6: {  	s17 =	simm.s32 $0x2;
	s1 =	sshll.u32 s5, $0x4;
	s10 =	smul.u32 $0x13C000, s5  }
0x7: {  	s18 =	simm.s32 $0x0;
	s28 =	smul.u32 $0x4F000, s0;
	s1 =	sor.u32 s0, s1  }
0x8: {  	[smem:$0x7FF] =	sst s4;
	s5 =	ssub.s32 $0x2, s5;
	s7 =	smul.u32 $0x4EC, s1  }
0x9: {  	s31 =	sshll.u32 s0, $0x6;
	s29 =	sshrl.u32 s5, $0x1;
	s8 =	smul.u32 $0x700, s1  }
0xa: {  	s1 =	rddreg [dreg:$0x3];
	_ =	strace $0x8000004D;
	s11 =	sshrl.u32 s9, $0x3  }
0xb: {  	s9 =	sadd.s32 s9, s10;
	s12 =	ssub.s32 s5, s29;
	s30 =	sshrl.u32 s28, $0x2  }
0xc: {  	s9 =	sshrl.u32 s9, $0x3;
	s11 =	sadd.s32 s11, s6;
	s13 =	sadd.s32 s30, s3  }
0xd: {  	s10 =	smax.u32 s12, $0x1;
	s12 =	simm.s32 $0x3;
	s7 =	sadd.s32 s7, s6  }
0xe: {  	s8 =	sadd.s32 s8, s6;
	s9 =	sadd.s32 s9, s6;
	s5 =	sadd.s32 $0x1C000, s11  }
0xf: {  	s6 =	sor.u32 $0x1C03, s31;
	s11 =	sshrl.u32 s13, $0x3;
	s13 =	simm.s32 $0x60  }
0x10: {  	s7 =	sadd.s32 $0x12200, s7;
	s8 =	sadd.s32 $0x4200, s8;
	s9 =	sadd.s32 $0x43800, s9  }
.LBB2_1:
0x11: {  	[spmem:s11], [sflag:s6] =	dma.local [hbm:s5], $0x2780  }
0x12: {  	_ =	swait.ge [sflag:s12], $0x2780  }
0x13: {  	[sflag:s12] =	ssyncset.done $0x0  }
0x14: {  	[sflag:s12] =	ssyncadd.s32 $0xFFFFD880  }
0x15: {  	[tilespmem:s4], [sflag:$0x3] =	stream.linear.gather [hbm4b:s7+s4], $0x2760, $0x38;
	[tilespmem:$0x1FB80] =	vst v63  }
0x16: {  	_ =	swait.ge [sflag:s12], $0x2760  }
0x17: {  	[sflag:s12] =	ssyncset.done $0x0  }
0x18: {  	s19 =	simm.s32 $0x2780;
	[sflag:s12] =	ssyncadd.s32 $0xFFFFD8A0  }
0x19: {  	[tilespmem:s19], [sflag:$0x3] =	stream.linear.gather [hbm4b:s8+s4], $0x3480, $0x38;
	[tilespmem:$0x1FB80] =	vst v63  }
0x1a: {  	_ =	swait.ge [sflag:s12], $0x3480  }
0x1b: {  	[sflag:s12] =	ssyncset.done $0x0  }
0x1c: {  	[sflag:s12] =	ssyncadd.s32 $0xFFFFCB80  }
0x1d: {  	[bflag:$0x0] =	sbarrier.arrive $0xFFFF  }
0x1e: {  	[tilespmem:s14], [sflag:$0x1] =	stream.indirect.gather [hbm4b:s2+s13], $0x80, s4, s13, $0xb8;
	[tilespmem:$0x1FB80] =	vst v63  }
0x1f: {  	_ = 	snop  }
0x20: {  	[tilespmem:s15], [sflag:$0x1] =	stream.indirect.gather [hbm4b:s2+s13], $0x80, s13, s13, $0xb8;
	[tilespmem:$0x1FB80] =	vst v63  }
0x21: {  	s20 =	sand.u32 $0x1, s4;
	_ =	swait.ge [sflag:s16], $0x3000  }
0x22: {  	s22 =	simm.s32 $0x8F80;
	p0 =	seq.s32 s20, $0x1;
	[sflag:s16] =	ssyncset.done $0x0  }
0x23: {  	s22 =	simm.s32 @!p0 $0x5F80;
	[sflag:s16] =	ssyncadd.s32 $0xFFFFD000  }
0x24: {  	[spmem:s3] =	stream.indirect.scatter.add.f32 [tilespmem:s22], [sflag:$0x2], $0x80, s19, s13, $0xb8;
	[tilespmem:$0x1FB80] =	vst v63  }
0x25: {  	p1 =	por $0x0, $0x0;
	s21 =	simm.s32 $0x2800;
	_ =	swait.ge [sflag:s17], $0x3000  }
0x26: {  	s23 =	simm.s32 $0x120;
	s20 =	simm.s32 $0x1;
	[sflag:s17] =	ssyncset.done $0x0  }
0x27: {  	s24 =	simm.s32 @!p1 $0x60;
	s19 =	simm.s32 $0xC0;
	[sflag:s17] =	ssyncadd.s32 $0xFFFFD000  }
.LBB2_2:
0x28: {  	[tilespmem:s22], [sflag:$0x1] =	stream.indirect.gather @!p1 [hbm4b:s2+s24], $0x80, s19, s24, $0xb8;
	[tilespmem:$0x1FB80] =	vst v63  }
0x29: {  	s24 =	smov.u32 s20;
	s19 =	smov.u32 s23;
	s20 =	sadd.s32 $0x1, s20  }
0x2a: {  	s22 =	sand.u32 $0x1, s24;
	_ =	swait.ge [sflag:s16], $0x3000;
	p0 =	sne.s32 s20, $0x69  }
0x2b: {  	p1 =	seq.s32 s22, $0x1;
	[sflag:s16] =	ssyncset.done $0x0;
	s22 =	simm.s32 $0x8F80  }
.Ltmp0:
0x2c: {  	s22 =	simm.s32 @!p1 $0x5F80;
	[sflag:s16] =	ssyncadd.s32 $0xFFFFD000;
	(pc) =	sbr.rel @p0 .LBB2_2-.Ltmp0, $4  }
0x2d: {  	[spmem:s3] =	stream.indirect.scatter.add.f32 [tilespmem:s22], [sflag:$0x2], $0x80, s21, s13, $0xb8;
	[tilespmem:$0x1FB80] =	vst v63  }
0x2e: {  	_ =	swait.ge [sflag:s17], $0x3000  }
0x2f: {  	p1 =	sgt.u32 s24, $0x66;
	s21 =	sadd.s32 $0x80, s21;
	[sflag:s17] =	ssyncset.done $0x0  }
0x30: {  	s23 =	sadd.s32 $0x60, s23;
	s24 =	simm.s32 @!p1 $0x60;
	[sflag:s17] =	ssyncadd.s32 $0xFFFFD000  }
0x31: {  	[tilespmem:s22], [sflag:$0x1] =	stream.indirect.gather @!p1 [hbm4b:s2+s24], $0x80, s19, s24, $0xb8;
	[tilespmem:$0x1FB80] =	vst v63  }
0x32: {  	s18 =	sadd.s32 $0x1, s18  }
0x33: {  	p0 =	sne.s32 s18, s10  }
.Ltmp1:
0x34: {  	[bflag:$0x0] =	sbarrier.arrive $0xFFFF;
	(pc) =	sbr.rel @p0 .LBB2_1-.Ltmp1, $4  }
0x35: {  	[hbm:s9], [sflag:s6] =	dma.local [spmem:s11], $0x2780  }
0x36: {  	_ =	swait.ge [sflag:s12], $0x2780  }
0x37: {  	[sflag:s12] =	ssyncset.done $0x0  }
0x38: {  	[sflag:s12] =	ssyncadd.s32 $0xFFFFD880  }
0x39: {  	_ =	sfence.sel $0x180000  }
0x3a: {  	[bflag:$0x0] =	sbarrier.arrive $0xFFFF  }
0x3b: {  	p0 =	sne.s32 s0, $0x0;
	_ =	strace $0x9000004D  }
0x3c: {  	s0 =	sadd.s32 @!p0 $0x100000, s1;
	[bflag:$0x2] =	sbarrier.arrive $0xFFFF  }
0x3d: {  	[sflag:s0] =	ssyncadd.tile.s32 @!p0 $0x1;
	_ =	shalt  }
.Lfunc_end2:
_tile_overlayer_lowered:
.L_overlay_start_2:
0x3e: {  	(tag) =	ssettag $0x2  }
0x3f: {  	s0 =	rddreg [dreg:$0x0];
	s2 =	stileid.u32  }
0x40: {  	s1 =	rddreg [dreg:$0x1];
	p0 =	sne.s32 s2, $0x0  }
0x41: {  	s3 =	rddreg [dreg:$0x2];
	[bflag:$0x3] =	sbarrier.arrive $0xFFFF;
	s2 =	simm.s32 @!p0 $0x1C03  }
0x42: {  	[timem:s3], [sflag:s2] =	dma.local @!p0 [hbm:s0], s1  }
0x43: {  	s0 =	simm.s32 @!p0 $0x3  }
0x44: {  	_ =	swait.ge @!p0 [sflag:s0], s1  }
0x45: {  	s1 =	ssub.s32 @!p0 $0x0, s1;
	[sflag:s0] =	ssyncset.done @!p0 $0x0  }
0x46: {  	[sflag:s0] =	ssyncadd.s32 @!p0 s1  }
0x47: {  	[bflag:$0x3] =	sbarrier.arrive $0xFFFF  }
0x48: {  	_ =	shalt  }

// kernel: kernel.19.cloned.1.call-start
scs
__scs_entry_jumppad:
0x0: {  	(pc) =	sbr.rel $0x88, $3  }
0x1: {  	(tag) =	ssettag $0x0;
	lr =	simm.s32 $0x1  }
0x2: {  	[smem:$0x3F8F] =	sst lr;
	_ =	strace $0xD0000000  }
0x3: {  	_ = 	snop  }
0x4: {  	_ = 	snop  }
0x5: {  	_ = 	snop  }
0x6: {  	_ = 	snop  }
0x7: {  	_ = 	snop  }
__scs_overlays_trampoline_lowered:
0x8: {  	[smem:$0x3F9E] =	sst s0  }
0x9: {  	[smem:$0x3F9F] =	sst s1  }
0xa: {  	[smem:$0x3FA0] =	sst s2  }
0xb: {  	[smem:$0x3FA1] =	sst s3  }
0xc: {  	[smem:$0x3FA2] =	sst s4  }
0xd: {  	[smem:$0x3FA3] =	sst s5  }
0xe: {  	[smem:$0x3FA4] =	sst s6  }
0xf: {  	[smem:$0x3FA5] =	sst s7  }
0x10: {  	[smem:$0x3FA6] =	sst s8  }
0x11: {  	[smem:$0x3FA7] =	sst s9;
	s0 =	simm.s32 @!p0 $0x0  }
0x12: {  	s1 =	sld [smem:$0x3F8D];
	s0 =	simm.s32 @p0 $0x1  }
0x13: {  	[smem:$0x3FA8] =	sst s0;
	s0 =	simm.s32 @!p1 $0x0  }
0x14: {  	s2 =	sld [smem:$0x3F8C];
	s0 =	simm.s32 @p1 $0x1  }
0x15: {  	[smem:$0x3FA9] =	sst s0;
	s0 =	simm.s32 @!p2 $0x0  }
0x16: {  	s3 =	sld [smem:$0x3FDB];
	s0 =	simm.s32 @p2 $0x1  }
0x17: {  	s4 =	simm.s32 $0x1BF5;
	[smem:$0x3FAB] =	sst s0  }
0x18: {  	s0 =	sld [smem:$0x3F8E];
	_ =	swait.ge [sflag:s4], $0x0  }
0x19: {  	s7 =	sld [smem:$0x3F8F]  }
0x1a: {  	s8 =	sadd.s32 $0xFFFFE003, lr  }
0x1b: {  	s9 =	sadd.s32 $0xFFFFFEF7, lr;
	s5 =	simm.s32 $0xFFFFFFFF;
	p2 =	slt.u32 s8, $0xFFFFF086  }
0x1c: {  	p1 =	slt.u32 s9, $0xF7A;
	s5 =	simm.s32 @!p2 $0x0  }
0x1d: {  	s5 =	simm.s32 @p1 $0x1;
	p0 =	seq.s32 s7, s2  }
0x1e: {  	s7 =	smul.u32 @!p0 $0xF7A, s2;
	p2 =	seq.s32 @!p0 s5, $0x0  }
0x1f: {  	s9 =	smul.u32 $0xF7A, s1;
	s8 =	simm.s32 @!p0 $0x1BF5;
	p2 =	por !p2, p0  }
0x20: {  	[sflag:s8] =	ssyncset.s32 @!p0 $0xFFFFF086;
	s6 =	sadd.s32 @!p0 s3, s7;
	s7 =	simm.s32 @!p0 $0x108  }
0x21: {  	s3 =	sadd.s32 s3, s9;
	s6 =	sadd.s32 @!p0 $0x88, s6;
	s7 =	simm.s32 @p2 $0x1082  }
0x22: {  	[simem:s7], [sflag:s8] =	dma.local @!p0 [hbm:s6], $0xF7A  }
0x23: {  	s9 =	sor.u32 $0xD0000000, s2;
	s6 =	simm.s32 $0x108;
	_ =	swait.ge @!p0 [sflag:s8], $0x0  }
0x24: {  	s3 =	sadd.s32 $0x88, s3;
	s6 =	simm.s32 @!p1 $0x1082;
	[sflag:s4] =	ssyncset.s32 $0xFFFFF086  }
0x25: {  	[simem:s6], [sflag:s4] =	dma.local [hbm:s3], $0xF7A  }
0x26: {  	[smem:$0x3F8F] =	sst s1;
	(tag) =	ssettag s2;
	_ =	strace s9  }
0x27: {  	s1 =	sld [smem:$0x3F9F]  }
0x28: {  	s2 =	sld [smem:$0x3FA0]  }
0x29: {  	s4 =	sld [smem:$0x3FA2]  }
0x2a: {  	p0 =	seq.s32 s5, $0x0;
	s5 =	sld [smem:$0x3FA3]  }
0x2b: {  	s6 =	sld [smem:$0x3FA4]  }
0x2c: {  	s7 =	sld [smem:$0x3FA5]  }
0x2d: {  	s3 =	simm.s32 $0x108;
	s8 =	sld [smem:$0x3FA6]  }
0x2e: {  	s3 =	simm.s32 @!p0 $0x1082;
	s9 =	sld [smem:$0x3FA7]  }
0x2f: {  	lr =	sadd.s32 s0, s3;
	s0 =	sld [smem:$0x3F9E]  }
0x30: {  	s3 =	sld [smem:$0x3FA1]  }
0x31: {  	[smem:$0x3FAA] =	sst s10  }
0x32: {  	s10 =	sld [smem:$0x3FA8];
	_ =	sdelay $0x3  }
0x33: {  	p0 =	seq.s32 s10, $0x1;
	s10 =	sld [smem:$0x3FAA];
	_ =	sdelay $0x3  }
0x34: {  	[smem:$0x3FAA] =	sst s10  }
0x35: {  	s10 =	sld [smem:$0x3FA9];
	_ =	sdelay $0x3  }
0x36: {  	p1 =	seq.s32 s10, $0x1;
	s10 =	sld [smem:$0x3FAA];
	_ =	sdelay $0x3  }
0x37: {  	[smem:$0x3FAA] =	sst s10  }
0x38: {  	s10 =	sld [smem:$0x3FAB]  }
0x39: {  	_ = 	snop;
	(pc) =	sbr.ind lr, $3  }
0x3a: {  	_ = 	snop  }
0x3b: {  	_ = 	snop  }
0x3c: {  	p2 =	seq.s32 s10, $0x1;
	s10 =	sld [smem:$0x3FAA]  }
0x3d: {  	_ =	shalt  }
0x3e: {  	_ =	shalt  }
0x3f: {  	_ =	shalt  }
0x40: {  	_ =	shalt  }
0x41: {  	_ =	shalt  }
0x42: {  	_ =	shalt  }
0x43: {  	_ =	shalt  }
0x44: {  	_ =	shalt  }
0x45: {  	_ =	shalt  }
0x46: {  	_ =	shalt  }
0x47: {  	_ =	shalt  }
0x48: {  	_ =	shalt  }
0x49: {  	_ =	shalt  }
0x4a: {  	_ =	shalt  }
0x4b: {  	_ =	shalt  }
0x4c: {  	_ =	shalt  }
0x4d: {  	_ =	shalt  }
0x4e: {  	_ =	shalt  }
0x4f: {  	_ =	shalt  }
0x50: {  	_ =	shalt  }
0x51: {  	_ =	shalt  }
0x52: {  	_ =	shalt  }
0x53: {  	_ =	shalt  }
0x54: {  	_ =	shalt  }
0x55: {  	_ =	shalt  }
0x56: {  	_ =	shalt  }
0x57: {  	_ =	shalt  }
0x58: {  	_ =	shalt  }
0x59: {  	_ =	shalt  }
0x5a: {  	_ =	shalt  }
0x5b: {  	_ =	shalt  }
0x5c: {  	_ =	shalt  }
0x5d: {  	_ =	shalt  }
0x5e: {  	_ =	shalt  }
0x5f: {  	_ =	shalt  }
0x60: {  	_ =	shalt  }
0x61: {  	_ =	shalt  }
0x62: {  	_ =	shalt  }
0x63: {  	_ =	shalt  }
0x64: {  	_ =	shalt  }
0x65: {  	_ =	shalt  }
0x66: {  	_ =	shalt  }
0x67: {  	_ =	shalt  }
0x68: {  	_ =	shalt  }
0x69: {  	_ =	shalt  }
0x6a: {  	_ =	shalt  }
0x6b: {  	_ =	shalt  }
0x6c: {  	_ =	shalt  }
0x6d: {  	_ =	shalt  }
0x6e: {  	_ =	shalt  }
0x6f: {  	_ =	shalt  }
0x70: {  	_ =	shalt  }
0x71: {  	_ =	shalt  }
0x72: {  	_ =	shalt  }
0x73: {  	_ =	shalt  }
0x74: {  	_ =	shalt  }
0x75: {  	_ =	shalt  }
0x76: {  	_ =	shalt  }
0x77: {  	_ =	shalt  }
0x78: {  	_ =	shalt  }
0x79: {  	_ =	shalt  }
0x7a: {  	_ =	shalt  }
0x7b: {  	_ =	shalt  }
0x7c: {  	_ =	shalt  }
0x7d: {  	_ =	shalt  }
0x7e: {  	_ =	shalt  }
0x7f: {  	_ =	shalt  }
0x80: {  	_ =	shalt  }
0x81: {  	_ =	shalt  }
0x82: {  	_ =	shalt  }
0x83: {  	_ =	shalt  }
0x84: {  	_ =	shalt  }
0x85: {  	_ =	shalt  }
0x86: {  	_ =	shalt  }
0x87: {  	_ =	shalt  }
.Lfunc_end0:
.L_simem_size_0:
called_computation.3_lowered:
.L_overlay_start_0:
0x88: {  	s2 =	sld [smem:$0x3FD9]  }
0x89: {  	s3 =	sld [smem:$0x3FFE];
	_ =	sdelay $0x1  }
0x8a: {  	s1 =	srdreg.scid  }
0x8b: {  	s0 =	sand.u32 $0x1, s1  }
0x8c: {  	s17 =	sshll.u32 s0, $0xA;
	s2 =	sadd.s32 s3, s2  }
0x8d: {  	s2 =	sadd.s32 s2, s17  }
0x8e: {  	[smem:$0x3FB6] =	sst s2  }
0x8f: {  	_ = 	snop  }
0x90: {  	s2 =	sld [smem:$0x3FD0];
	(tm) =	ssettm $0x1  }
0x91: {  	s18 =	sld [smem:$0x3FFB];
	_ =	sdelay $0x3  }
0x92: {  	_ =	strace s18  }
0x93: {  	s3 =	sld [smem:$0x3FFC];
	_ =	sdelay $0x3  }
0x94: {  	_ =	strace s3  }
0x95: {  	s3 =	sld [smem:$0x3FFD];
	_ =	sdelay $0x3  }
0x96: {  	_ =	strace s3  }
0x97: {  	_ =	strace $0x8FFFFFFF  }
0x98: {  	s19 =	sld [smem:$0x3FDB];
	_ =	sdelay $0x1  }
0x99: {  	s4 =	simm.s32 $_scs_section_size  }
0x9a: {  	s5 =	simm.s32 $_size__tile_overlayer_lowered;
	s6 =	simm.s32 $_tile_overlayer_lowered  }
0x9b: {  	s22 =	simm.s32 $0x1BFF;
	s21 =	sshll.u32 s6, $0x1;
	s3 =	sadd.s32 s4, s19  }
0x9c: {  	s7 =	simm.s32 $0x0;
	s20 =	sshll.u32 s5, $0x1;
	s5 =	sadd.s32 s21, s3  }
0x9d: {  	[timem:s7], [sflag:s22] =	dma.local [hbm:s5], s20  }
0x9e: {  	_ =	swait.ge [sflag:s22], s20  }
0x9f: {  	s4 =	ssub.s32 $0x0, s20;
	[sflag:s22] =	ssyncset.done $0x0  }
0xa0: {  	[sflag:s22] =	ssyncadd.s32 s4;
	_ =	sdelay $0x1  }
0xa1: {  	s23 =	simm.s32 $0x1B8B  }
0xa2: {  	_ =	swait.ge [sflag:s23], $0x1  }
0xa3: {  	[sflag:s23] =	ssyncset.done $0x0  }
0xa4: {  	s25 =	simm.s32 $0x1B8E;
	s24 =	sld [smem:$0x3FFE];
	[sflag:s23] =	ssyncadd.s32 $0xFFFFFFFF  }
0xa5: {  	s26 =	simm.s32 $execute0_lowered;
	[smem:$0x3FD2] =	sst s25  }
0xa6: {  	s5 =	sshll.u32 s26, $0x1;
	_ =	strace $0x8000004F;
	[dreg:$0x1] =	wrdreg $0xFFFFFFFF  }
0xa7: {  	s28 =	simm.s32 $_size_execute0_lowered;
	s3 =	sadd.s32 s3, s5;
	[dreg:$0x0] =	wrdreg $0x0  }
0xa8: {  	s5 =	sshll.u32 s28, $0x1;
	[dreg:$0x2] =	wrdreg s3  }
0xa9: {  	[dreg:$0x3] =	wrdreg s5  }
0xaa: {  	[dreg:$0x4] =	wrdreg $0xC0  }
0xab: {  	_ =	task [dreg:s7], $0x5FFFF  }
0xac: {  	[dreg:$0x1] =	wrdreg $0xFFFFFFFF  }
0xad: {  	[dreg:$0x0] =	wrdreg $0x60  }
0xae: {  	[dreg:$0x2] =	wrdreg s2  }
0xaf: {  	[dreg:$0x3] =	wrdreg s24  }
0xb0: {  	[dreg:$0x4] =	wrdreg $0xBF800  }
0xb1: {  	[dreg:$0x5] =	wrdreg $0x9  }
0xb2: {  	_ =	task.clear_ibuf [dreg:s7], $0x6FFFF;
	_ =	strace $0x9000004F  }
0xb3: {  	s29 =	simm.s32 $0x9;
	_ =	strace $0x80000051  }
0xb4: {  	_ =	swait.ge [sflag:s29], $0x1  }
0xb5: {  	[sflag:s29] =	ssyncadd.s32 $0xFFFFFFFF  }
0xb6: {  	_ =	strace $0x90000051  }
0xb7: {  	_ =	sfence  }
0xb8: {  	s30 =	sld [smem:$0x0];
	_ =	sdelay $0x2  }
0xb9: {  	s31 =	sshll.u32 s1, $0xD;
	s1 =	sshrl.u32 s1, $0x2  }
0xba: {  	s3 =	sand.u32 $0x4000, s31;
	s1 =	sadd.s32 s1, s30  }
0xbb: {  	s0 =	sor.u32 s3, s0;
	s1 =	sshll.u32 s1, $0x11  }
0xbc: {  	s0 =	sor.u32 s1, s0  }
0xbd: {  	s0 =	sadd.s32 $0x8F2B, s0  }
0xbe: {  	[sflag:s0] =	ssyncadd.remote.s32 $0x1  }
0xbf: {  	_ =	sfence.sel $0xFFFF  }
0xc0: {  	[dreg:$0x0] =	wrdreg $0xFFFFFFFF;
	(pc) =	sbr.abs _section_cstart, $3  }
0xc1: {  	[dreg:$0x1] =	wrdreg $0xFFFFFFFF  }
0xc2: {  	_ =	task.clear_ibuf [dreg:s7], $0x2FFFF;
	_ =	strace $0x9FFFFFFF  }
0xc3: {  	(tm) =	ssettm $0x7FFFFFFF  }
tec
execute0_lowered:
.L_overlay_start_1:
0x0: {  	(tag) =	ssettag $0x1  }
0x1: {  	s2 =	rddreg [dreg:$0x0]  }
0x2: {  	s6 =	rddreg [dreg:$0x1]  }
0x3: {  	s0 =	srdreg.scid;
	s3 =	rddreg [dreg:$0x2];
	s4 =	simm.s32 $0x0  }
0x4: {  	s14 =	simm.s32 $0x5F80;
	s5 =	sand.u32 $0x1, s0;
	s0 =	stileid.u32  }
0x5: {  	s15 =	simm.s32 $0x8F80;
	s16 =	simm.s32 $0x1;
	s9 =	smul.u32 $0x13C00, s0  }
0x6: {  	s17 =	simm.s32 $0x2;
	s1 =	sshll.u32 s5, $0x4;
	s10 =	smul.u32 $0x13C000, s5  }
0x7: {  	s18 =	simm.s32 $0x0;
	s28 =	smul.u32 $0x4F000, s0;
	s1 =	sor.u32 s0, s1  }
0x8: {  	[smem:$0x7FF] =	sst s4;
	s5 =	ssub.s32 $0x2, s5;
	s7 =	smul.u32 $0x4EC, s1  }
0x9: {  	s31 =	sshll.u32 s0, $0x6;
	s29 =	sshrl.u32 s5, $0x1;
	s8 =	smul.u32 $0x700, s1  }
0xa: {  	s1 =	rddreg [dreg:$0x3];
	_ =	strace $0x80000050;
	s11 =	sshrl.u32 s9, $0x3  }
0xb: {  	s9 =	sadd.s32 s9, s10;
	s12 =	ssub.s32 s5, s29;
	s30 =	sshrl.u32 s28, $0x2  }
0xc: {  	s9 =	sshrl.u32 s9, $0x3;
	s11 =	sadd.s32 s11, s6;
	s13 =	sadd.s32 s30, s3  }
0xd: {  	s10 =	smax.u32 s12, $0x1;
	s12 =	simm.s32 $0x3;
	s7 =	sadd.s32 s7, s6  }
0xe: {  	s8 =	sadd.s32 s8, s6;
	s9 =	sadd.s32 s9, s6;
	s5 =	sadd.s32 $0x1C000, s11  }
0xf: {  	s6 =	sor.u32 $0x1C03, s31;
	s11 =	sshrl.u32 s13, $0x3;
	s13 =	simm.s32 $0x60  }
0x10: {  	s7 =	sadd.s32 $0x12200, s7;
	s8 =	sadd.s32 $0x4200, s8;
	s9 =	sadd.s32 $0x43800, s9  }
.LBB2_1:
0x11: {  	[spmem:s11], [sflag:s6] =	dma.local [hbm:s5], $0x2780  }
0x12: {  	_ =	swait.ge [sflag:s12], $0x2780  }
0x13: {  	[sflag:s12] =	ssyncset.done $0x0  }
0x14: {  	[sflag:s12] =	ssyncadd.s32 $0xFFFFD880  }
0x15: {  	[tilespmem:s4], [sflag:$0x3] =	stream.linear.gather [hbm4b:s7+s4], $0x2760, $0x38;
	[tilespmem:$0x1FB80] =	vst v63  }
0x16: {  	_ =	swait.ge [sflag:s12], $0x2760  }
0x17: {  	[sflag:s12] =	ssyncset.done $0x0  }
0x18: {  	s19 =	simm.s32 $0x2780;
	[sflag:s12] =	ssyncadd.s32 $0xFFFFD8A0  }
0x19: {  	[tilespmem:s19], [sflag:$0x3] =	stream.linear.gather [hbm4b:s8+s4], $0x3480, $0x38;
	[tilespmem:$0x1FB80] =	vst v63  }
0x1a: {  	_ =	swait.ge [sflag:s12], $0x3480  }
0x1b: {  	[sflag:s12] =	ssyncset.done $0x0  }
0x1c: {  	[sflag:s12] =	ssyncadd.s32 $0xFFFFCB80  }
0x1d: {  	[bflag:$0x0] =	sbarrier.arrive $0xFFFF  }
0x1e: {  	[tilespmem:s14], [sflag:$0x1] =	stream.indirect.gather [hbm4b:s2+s13], $0x80, s4, s13, $0xb8;
	[tilespmem:$0x1FB80] =	vst v63  }
0x1f: {  	_ = 	snop  }
0x20: {  	[tilespmem:s15], [sflag:$0x1] =	stream.indirect.gather [hbm4b:s2+s13], $0x80, s13, s13, $0xb8;
	[tilespmem:$0x1FB80] =	vst v63  }
0x21: {  	s20 =	sand.u32 $0x1, s4;
	_ =	swait.ge [sflag:s16], $0x3000  }
0x22: {  	s22 =	simm.s32 $0x8F80;
	p0 =	seq.s32 s20, $0x1;
	[sflag:s16] =	ssyncset.done $0x0  }
0x23: {  	s22 =	simm.s32 @!p0 $0x5F80;
	[sflag:s16] =	ssyncadd.s32 $0xFFFFD000  }
0x24: {  	[spmem:s3] =	stream.indirect.scatter.add.f32 [tilespmem:s22], [sflag:$0x2], $0x80, s19, s13, $0xb8;
	[tilespmem:$0x1FB80] =	vst v63  }
0x25: {  	p1 =	por $0x0, $0x0;
	s21 =	simm.s32 $0x2800;
	_ =	swait.ge [sflag:s17], $0x3000  }
0x26: {  	s23 =	simm.s32 $0x120;
	s20 =	simm.s32 $0x1;
	[sflag:s17] =	ssyncset.done $0x0  }
0x27: {  	s24 =	simm.s32 @!p1 $0x60;
	s19 =	simm.s32 $0xC0;
	[sflag:s17] =	ssyncadd.s32 $0xFFFFD000  }
.LBB2_2:
0x28: {  	[tilespmem:s22], [sflag:$0x1] =	stream.indirect.gather @!p1 [hbm4b:s2+s24], $0x80, s19, s24, $0xb8;
	[tilespmem:$0x1FB80] =	vst v63  }
0x29: {  	s24 =	smov.u32 s20;
	s19 =	smov.u32 s23;
	s20 =	sadd.s32 $0x1, s20  }
0x2a: {  	s22 =	sand.u32 $0x1, s24;
	_ =	swait.ge [sflag:s16], $0x3000;
	p0 =	sne.s32 s20, $0x69  }
0x2b: {  	p1 =	seq.s32 s22, $0x1;
	[sflag:s16] =	ssyncset.done $0x0;
	s22 =	simm.s32 $0x8F80  }
.Ltmp0:
0x2c: {  	s22 =	simm.s32 @!p1 $0x5F80;
	[sflag:s16] =	ssyncadd.s32 $0xFFFFD000;
	(pc) =	sbr.rel @p0 .LBB2_2-.Ltmp0, $4  }
0x2d: {  	[spmem:s3] =	stream.indirect.scatter.add.f32 [tilespmem:s22], [sflag:$0x2], $0x80, s21, s13, $0xb8;
	[tilespmem:$0x1FB80] =	vst v63  }
0x2e: {  	_ =	swait.ge [sflag:s17], $0x3000  }
0x2f: {  	p1 =	sgt.u32 s24, $0x66;
	s21 =	sadd.s32 $0x80, s21;
	[sflag:s17] =	ssyncset.done $0x0  }
0x30: {  	s23 =	sadd.s32 $0x60, s23;
	s24 =	simm.s32 @!p1 $0x60;
	[sflag:s17] =	ssyncadd.s32 $0xFFFFD000  }
0x31: {  	[tilespmem:s22], [sflag:$0x1] =	stream.indirect.gather @!p1 [hbm4b:s2+s24], $0x80, s19, s24, $0xb8;
	[tilespmem:$0x1FB80] =	vst v63  }
0x32: {  	s18 =	sadd.s32 $0x1, s18  }
0x33: {  	p0 =	sne.s32 s18, s10  }
.Ltmp1:
0x34: {  	[bflag:$0x0] =	sbarrier.arrive $0xFFFF;
	(pc) =	sbr.rel @p0 .LBB2_1-.Ltmp1, $4  }
0x35: {  	[hbm:s9], [sflag:s6] =	dma.local [spmem:s11], $0x2780  }
0x36: {  	_ =	swait.ge [sflag:s12], $0x2780  }
0x37: {  	[sflag:s12] =	ssyncset.done $0x0  }
0x38: {  	[sflag:s12] =	ssyncadd.s32 $0xFFFFD880  }
0x39: {  	_ =	sfence.sel $0x180000  }
0x3a: {  	[bflag:$0x0] =	sbarrier.arrive $0xFFFF  }
0x3b: {  	p0 =	sne.s32 s0, $0x0;
	_ =	strace $0x90000050  }
0x3c: {  	s0 =	sadd.s32 @!p0 $0x100000, s1;
	[bflag:$0x2] =	sbarrier.arrive $0xFFFF  }
0x3d: {  	[sflag:s0] =	ssyncadd.tile.s32 @!p0 $0x1;
	_ =	shalt  }
.Lfunc_end2:
_tile_overlayer_lowered:
.L_overlay_start_2:
0x3e: {  	(tag) =	ssettag $0x2  }
0x3f: {  	s0 =	rddreg [dreg:$0x0];
	s2 =	stileid.u32  }
0x40: {  	s1 =	rddreg [dreg:$0x1];
	p0 =	sne.s32 s2, $0x0  }
0x41: {  	s3 =	rddreg [dreg:$0x2];
	[bflag:$0x3] =	sbarrier.arrive $0xFFFF;
	s2 =	simm.s32 @!p0 $0x1C03  }
0x42: {  	[timem:s3], [sflag:s2] =	dma.local @!p0 [hbm:s0], s1  }
0x43: {  	s0 =	simm.s32 @!p0 $0x3  }
0x44: {  	_ =	swait.ge @!p0 [sflag:s0], s1  }
0x45: {  	s1 =	ssub.s32 @!p0 $0x0, s1;
	[sflag:s0] =	ssyncset.done @!p0 $0x0  }
0x46: {  	[sflag:s0] =	ssyncadd.s32 @!p0 s1  }
0x47: {  	[bflag:$0x3] =	sbarrier.arrive $0xFFFF  }
0x48: {  	_ =	shalt  }

</sc_bundles>
